<compile_context>
chip_gen: v7x
topology: tpu7x:2x2x1
jax: 0.10.2.dev20260603
libtpu: 0.0.44.dev20260713+nightly
codegen_flags: <defaults>
</compile_context>

<pallas_src>
import functools

import jax
import jax.numpy as jnp
from jax import lax
from jax.experimental import pallas as pl
from jax.experimental.pallas import tpu as pltpu
from jax.experimental.pallas import tpu_sc as plsc

N = 819200
D = 128
L = 16
NC, NS = 2, 16
NW = NC * NS
ROWS_PER_W = N // NW
CH = 128
CHUNKS = ROWS_PER_W // CH
VPR = D // L

_mesh = plsc.VectorSubcoreMesh(core_axis_name="c", subcore_axis_name="s")


@functools.partial(
    pl.kernel,
    mesh=_mesh,
    out_type=jax.ShapeDtypeStruct((N, D), jnp.float32),
    scratch_types=[
        pltpu.VMEM((2, 3, CH), jnp.int32),
        pltpu.VMEM((2, 3, CH, D), jnp.float32),
        pltpu.VMEM((8,), jnp.int32),
        pltpu.VMEM((8, D), jnp.float32),
        pltpu.SemaphoreType.DMA,
        pltpu.SemaphoreType.DMA,
        pltpu.SemaphoreType.DMA,
        pltpu.SemaphoreType.DMA,
        pltpu.SemaphoreType.DMA,
        pltpu.SemaphoreType.DMA,
    ],
)
def _sc_kernel(idxs_hbm, s_hbm, xt_hbm, yt_hbm, zt_hbm, st_hbm,
               out_hbm, idx, bufs, sidx, srow_v,
               isem0, isem1, gsem0, gsem1, osem0, osem1):
    isem = (isem0, isem1)
    gsem = (gsem0, gsem1)
    osem = (osem0, osem1)
    tabs = (xt_hbm, yt_hbm, zt_hbm)

    wid = lax.axis_index("s") * NC + lax.axis_index("c")
    base0 = wid * ROWS_PER_W

    pltpu.sync_copy(s_hbm, sidx)
    pltpu.async_copy(st_hbm.at[sidx], srow_v, gsem0).wait()
    srows = [srow_v[0, pl.ds(k * L, L)] for k in range(VPR)]

    def idx_desc(s, g):
        return pltpu.make_async_copy(
            idxs_hbm.at[:, pl.ds(base0 + g * CH, CH)], idx.at[s], isem[s])

    def gat_desc(s, t):
        return pltpu.make_async_copy(
            tabs[t].at[idx.at[s, t]], bufs.at[s, t], gsem[s])

    def out_desc(s, g):
        return pltpu.make_async_copy(
            bufs.at[s, 0], out_hbm.at[pl.ds(base0 + g * CH, CH), :], osem[s])

    idx_desc(0, 0).start()
    idx_desc(0, 0).wait()
    for t in range(3):
        gat_desc(0, t).start()
    idx_desc(1, 1).start()

    def pair_body(i, _):
        for s in (0, 1):
            g = 2 * i + s
            s2 = 1 - s

            @pl.when(g + 1 < CHUNKS)
            def _():
                idx_desc(s2, g + 1).wait()
                gat_desc(s2, 1).start()
                gat_desc(s2, 2).start()

            @pl.when(g > 0)
            def _():
                out_desc(s2, g).wait()

            @pl.when(g + 1 < CHUNKS)
            def _():
                gat_desc(s2, 0).start()

            for t in range(3):
                gat_desc(s, t).wait()

            @pl.when(g + 2 < CHUNKS)
            def _():
                idx_desc(s, g + 2).start()

            @plsc.parallel_loop(0, CH, unroll=4)
            def row_body(r):
                for k in range(VPR):
                    sl = pl.ds(k * L, L)
                    acc = bufs[s, 0, r, sl] + bufs[s, 1, r, sl]
                    acc = acc + bufs[s, 2, r, sl]
                    bufs[s, 0, r, sl] = acc + srows[k]

            out_desc(s, g).start()
        return 0

    lax.fori_loop(0, CHUNKS // 2, pair_body, 0)

    out_desc(1, CHUNKS - 1).wait()


def kernel(coords, stride, x_table, y_table, z_table, stride_table):
    idxs = coords[:, 1:4].T
    s_vec = jnp.full((8,), stride, dtype=jnp.int32)
    return _sc_kernel(idxs, s_vec, x_table, y_table, z_table, stride_table)

# --- scband reference (transcript-rebuilt; emitter-appended) ---
"""Pipeline reference for scband-learned-positional-encoding-22866405884040 (READ-ONLY COPY).

The authoritative reference and input builder live on the scoring server;
editing this copy changes nothing except your own understanding.
"""

import jax, jax.numpy as jnp
import numpy as np

N = 819200
D_MODEL = 128
MAX_X = 1024
MAX_Y = 1024
MAX_Z = 1024
MAX_STRIDE = 8


def setup_inputs(seed: int = 0) -> dict:
    key = jax.random.key(seed)
    k_coords, k_x, k_y, k_z, k_s = jax.random.split(key, 5)
    coords = jax.random.randint(k_coords, (N, 4), 0, MAX_X, dtype=jnp.int32)
    x_table = jax.random.normal(k_x, (MAX_X, D_MODEL), dtype=jnp.float32)
    y_table = jax.random.normal(k_y, (MAX_Y, D_MODEL), dtype=jnp.float32)
    z_table = jax.random.normal(k_z, (MAX_Z, D_MODEL), dtype=jnp.float32)
    stride_table = jax.random.normal(k_s, (MAX_STRIDE, D_MODEL), dtype=jnp.float32)
    return {
        "coords": coords,
        "stride": 1,
        "x_table": x_table,
        "y_table": y_table,
        "z_table": z_table,
        "stride_table": stride_table,
    }


def reference(coords, stride, x_table, y_table, z_table, stride_table):
    # stride = torch.ones_like(coords[:, 0]) * stride
    s_idx = jnp.full((coords.shape[0],), stride, dtype=coords.dtype)
    x = coords[:, 1]
    y = coords[:, 2]
    z = coords[:, 3]
    x_pos = jnp.take(x_table, x, axis=0)
    y_pos = jnp.take(y_table, y, axis=0)
    z_pos = jnp.take(z_table, z, axis=0)
    stride_emb = jnp.take(stride_table, s_idx, axis=0)
    return x_pos + y_pos + z_pos + stride_emb

if __name__ == "__main__":
    import jax
    _d = setup_inputs()
    print(jax.jit(kernel)(*tuple(_d.values())))

</pallas_src>

<mosaic_0001>
#map = affine_map<(d0, d1) -> (0, 0)>
#map1 = affine_map<(d0, d1) -> (0)>
module attributes {stable_mosaic.version = 14 : i64} {
  func.func @_sc_kernel(%arg0: i32, %arg1: i32, %arg2: memref<3x819200xi32, #tpu.memory_space<hbm>>, %arg3: memref<8xi32, #tpu.memory_space<hbm>>, %arg4: memref<1024x128xf32, #tpu.memory_space<hbm>>, %arg5: memref<1024x128xf32, #tpu.memory_space<hbm>>, %arg6: memref<1024x128xf32, #tpu.memory_space<hbm>>, %arg7: memref<8x128xf32, #tpu.memory_space<hbm>>, %arg8: memref<819200x128xf32, #tpu.memory_space<hbm>>, %arg9: memref<2x3x128xi32, #tpu.memory_space<vmem>>, %arg10: memref<2x3x128x128xf32, #tpu.memory_space<vmem>>, %arg11: memref<8xi32, #tpu.memory_space<vmem>>, %arg12: memref<8x128xf32, #tpu.memory_space<vmem>>, %arg13: memref<!tpu.dma_semaphore, #tpu.memory_space<semaphore_mem>>, %arg14: memref<!tpu.dma_semaphore, #tpu.memory_space<semaphore_mem>>, %arg15: memref<!tpu.dma_semaphore, #tpu.memory_space<semaphore_mem>>, %arg16: memref<!tpu.dma_semaphore, #tpu.memory_space<semaphore_mem>>, %arg17: memref<!tpu.dma_semaphore, #tpu.memory_space<semaphore_mem>>, %arg18: memref<!tpu.dma_semaphore, #tpu.memory_space<semaphore_mem>>) attributes {dimension_semantics = [#tpu.dimension_semantics<core_parallel>, #tpu.dimension_semantics<subcore_parallel>], iteration_bounds = array<i64: 2, 16>, scalar_prefetch = 0 : i64, scratch_operands = 10 : i64, tpu.core_type = #tpu.core_type<sc_vector_subcore>, window_params = [{transform_indices = #map}, {transform_indices = #map1}, {transform_indices = #map}, {transform_indices = #map}, {transform_indices = #map}, {transform_indices = #map}, {transform_indices = #map}]} {
    %mul3A = arith.constant 2 : i32
    %mul3A_0 = arith.muli %arg1, %mul3A : i32
    %add3A = arith.addi %mul3A_0, %arg0 : i32
    %mul3A_1 = arith.constant 25600 : i32
    %mul3A_2 = arith.muli %add3A, %mul3A_1 : i32
    "tpu.region"() ({
      %run_scoped3A = tpu.sem_alloc : memref<!tpu.dma_semaphore, #tpu.memory_space<semaphore_mem>>
      tpu.enqueue_dma source(%arg3 : memref<8xi32, #tpu.memory_space<hbm>>) target(%arg11 : memref<8xi32, #tpu.memory_space<vmem>>) target_semaphore(%run_scoped3A : memref<!tpu.dma_semaphore, #tpu.memory_space<semaphore_mem>>)
      tpu.wait_dma2 semaphore(%run_scoped3A : memref<!tpu.dma_semaphore, #tpu.memory_space<semaphore_mem>>) src(%arg3 : memref<8xi32, #tpu.memory_space<hbm>>) dst(%arg11 : memref<8xi32, #tpu.memory_space<vmem>>)
      tpu.yield
    }) : () -> ()
    %dma_start3A = arith.constant 0 : i32
    %dma_start3A_3 = arith.constant 0 : i32
    %dma_start3A_4 = tpu.memref_slice %arg7[%dma_start3A, %dma_start3A_3] : memref<8x128xf32, #tpu.memory_space<hbm>> -> memref<8x128xf32, #tpu.memory_space<hbm>>
    tpu.enqueue_indirect_dma source(%dma_start3A_4 : memref<8x128xf32, #tpu.memory_space<hbm>>) target(%arg12 : memref<8x128xf32, #tpu.memory_space<vmem>>) offsets(%arg11 : memref<8xi32, #tpu.memory_space<vmem>>) semaphore(%arg15 : memref<!tpu.dma_semaphore, #tpu.memory_space<semaphore_mem>>)
    %dma_wait3A = arith.constant 0 : i32
    %dma_wait3A_5 = arith.constant 0 : i32
    %dma_wait3A_6 = tpu.memref_slice %arg7[%dma_wait3A, %dma_wait3A_5] : memref<8x128xf32, #tpu.memory_space<hbm>> -> memref<8x128xf32, #tpu.memory_space<hbm>>
    tpu.wait_indirect_dma semaphore(%arg15 : memref<!tpu.dma_semaphore, #tpu.memory_space<semaphore_mem>>) src(%dma_wait3A_6 : memref<8x128xf32, #tpu.memory_space<hbm>>) dst(%arg12 : memref<8x128xf32, #tpu.memory_space<vmem>>)
    %get3A = arith.constant 0 : i32
    %get3A_7 = arith.index_cast %get3A : i32 to index
    %get3A_8 = arith.constant 0 : index
    %get3A_9 = tpu.vector_load %arg12[%get3A_7, %get3A_8] {strides = array<i32>} : memref<8x128xf32, #tpu.memory_space<vmem>>, vector<1x16xf32>,
    %get3A_10 = vector.shape_cast %get3A_9 : vector<1x16xf32> to vector<16xf32>
    %get3A_11 = arith.constant 0 : i32
    %get3A_12 = arith.index_cast %get3A_11 : i32 to index
    %get3A_13 = arith.constant 16 : index
    %get3A_14 = tpu.vector_load %arg12[%get3A_12, %get3A_13] {strides = array<i32>} : memref<8x128xf32, #tpu.memory_space<vmem>>, vector<1x16xf32>,
    %get3A_15 = vector.shape_cast %get3A_14 : vector<1x16xf32> to vector<16xf32>
    %get3A_16 = arith.constant 0 : i32
    %get3A_17 = arith.index_cast %get3A_16 : i32 to index
    %get3A_18 = arith.constant 32 : index
    %get3A_19 = tpu.vector_load %arg12[%get3A_17, %get3A_18] {strides = array<i32>} : memref<8x128xf32, #tpu.memory_space<vmem>>, vector<1x16xf32>,
    %get3A_20 = vector.shape_cast %get3A_19 : vector<1x16xf32> to vector<16xf32>
    %get3A_21 = arith.constant 0 : i32
    %get3A_22 = arith.index_cast %get3A_21 : i32 to index
    %get3A_23 = arith.constant 48 : index
    %get3A_24 = tpu.vector_load %arg12[%get3A_22, %get3A_23] {strides = array<i32>} : memref<8x128xf32, #tpu.memory_space<vmem>>, vector<1x16xf32>,
    %get3A_25 = vector.shape_cast %get3A_24 : vector<1x16xf32> to vector<16xf32>
    %get3A_26 = arith.constant 0 : i32
    %get3A_27 = arith.index_cast %get3A_26 : i32 to index
    %get3A_28 = arith.constant 64 : index
    %get3A_29 = tpu.vector_load %arg12[%get3A_27, %get3A_28] {strides = array<i32>} : memref<8x128xf32, #tpu.memory_space<vmem>>, vector<1x16xf32>,
    %get3A_30 = vector.shape_cast %get3A_29 : vector<1x16xf32> to vector<16xf32>
    %get3A_31 = arith.constant 0 : i32
    %get3A_32 = arith.index_cast %get3A_31 : i32 to index
    %get3A_33 = arith.constant 80 : index
    %get3A_34 = tpu.vector_load %arg12[%get3A_32, %get3A_33] {strides = array<i32>} : memref<8x128xf32, #tpu.memory_space<vmem>>, vector<1x16xf32>,
    %get3A_35 = vector.shape_cast %get3A_34 : vector<1x16xf32> to vector<16xf32>
    %get3A_36 = arith.constant 0 : i32
    %get3A_37 = arith.index_cast %get3A_36 : i32 to index
    %get3A_38 = arith.constant 96 : index
    %get3A_39 = tpu.vector_load %arg12[%get3A_37, %get3A_38] {strides = array<i32>} : memref<8x128xf32, #tpu.memory_space<vmem>>, vector<1x16xf32>,
    %get3A_40 = vector.shape_cast %get3A_39 : vector<1x16xf32> to vector<16xf32>
    %get3A_41 = arith.constant 0 : i32
    %get3A_42 = arith.index_cast %get3A_41 : i32 to index
    %get3A_43 = arith.constant 112 : index
    %get3A_44 = tpu.vector_load %arg12[%get3A_42, %get3A_43] {strides = array<i32>} : memref<8x128xf32, #tpu.memory_space<vmem>>, vector<1x16xf32>,
    %get3A_45 = vector.shape_cast %get3A_44 : vector<1x16xf32> to vector<16xf32>
    %add3A_46 = arith.constant 0 : i32
    %add3A_47 = arith.addi %mul3A_2, %add3A_46 : i32
    %dma_start3A_48 = arith.constant 0 : i32
    %dma_start3A_49 = arith.constant 0 : i32
    %dma_start3A_50 = arith.constant 0 : i32
    %dma_start3A_51 = tpu.memref_slice %arg9[%dma_start3A_48, %dma_start3A_49, %dma_start3A_50] : memref<2x3x128xi32, #tpu.memory_space<vmem>> -> memref<1x3x128xi32, #tpu.memory_space<vmem>>
    %dma_start3A_52 = tpu.memref_squeeze %dma_start3A_51 : memref<1x3x128xi32, #tpu.memory_space<vmem>> -> memref<3x128xi32, #tpu.memory_space<vmem>>
    %dma_start3A_53 = arith.constant 0 : i32
    %dma_start3A_54 = tpu.memref_slice %arg2[%dma_start3A_53, %add3A_47] : memref<3x819200xi32, #tpu.memory_space<hbm>> -> memref<3x128xi32, #tpu.memory_space<hbm>>
    %dma_start3A_55 = arith.constant 0 : i32
    %dma_start3A_56 = arith.constant 0 : i32
    %dma_start3A_57 = tpu.memref_slice %arg9[%dma_start3A_48, %dma_start3A_55, %dma_start3A_56] : memref<2x3x128xi32, #tpu.memory_space<vmem>> -> memref<1x3x128xi32, #tpu.memory_space<vmem>>
    %dma_start3A_58 = tpu.memref_squeeze %dma_start3A_57 : memref<1x3x128xi32, #tpu.memory_space<vmem>> -> memref<3x128xi32, #tpu.memory_space<vmem>>
    %dma_start3A_59 = arith.constant 0 : i32
    %dma_start3A_60 = tpu.memref_slice %arg2[%dma_start3A_59, %add3A_47] : memref<3x819200xi32, #tpu.memory_space<hbm>> -> memref<3x128xi32, #tpu.memory_space<hbm>>
    tpu.enqueue_dma source(%dma_start3A_60 : memref<3x128xi32, #tpu.memory_space<hbm>>) target(%dma_start3A_58 : memref<3x128xi32, #tpu.memory_space<vmem>>) target_semaphore(%arg13 : memref<!tpu.dma_semaphore, #tpu.memory_space<semaphore_mem>>)
    %add3A_61 = arith.constant 0 : i32
    %add3A_62 = arith.addi %mul3A_2, %add3A_61 : i32
    %dma_wait3A_63 = arith.constant 0 : i32
    %dma_wait3A_64 = arith.constant 0 : i32
    %dma_wait3A_65 = arith.constant 0 : i32
    %dma_wait3A_66 = tpu.memref_slice %arg9[%dma_wait3A_63, %dma_wait3A_64, %dma_wait3A_65] : memref<2x3x128xi32, #tpu.memory_space<vmem>> -> memref<1x3x128xi32, #tpu.memory_space<vmem>>
    %dma_wait3A_67 = tpu.memref_squeeze %dma_wait3A_66 : memref<1x3x128xi32, #tpu.memory_space<vmem>> -> memref<3x128xi32, #tpu.memory_space<vmem>>
    %dma_wait3A_68 = arith.constant 0 : i32
    %dma_wait3A_69 = tpu.memref_slice %arg2[%dma_wait3A_68, %add3A_62] : memref<3x819200xi32, #tpu.memory_space<hbm>> -> memref<3x128xi32, #tpu.memory_space<hbm>>
    %dma_wait3A_70 = arith.constant 0 : i32
    %dma_wait3A_71 = arith.constant 0 : i32
    %dma_wait3A_72 = tpu.memref_slice %arg9[%dma_wait3A_63, %dma_wait3A_70, %dma_wait3A_71] : memref<2x3x128xi32, #tpu.memory_space<vmem>> -> memref<1x3x128xi32, #tpu.memory_space<vmem>>
    %dma_wait3A_73 = tpu.memref_squeeze %dma_wait3A_72 : memref<1x3x128xi32, #tpu.memory_space<vmem>> -> memref<3x128xi32, #tpu.memory_space<vmem>>
    %dma_wait3A_74 = arith.constant 0 : i32
    %dma_wait3A_75 = tpu.memref_slice %arg2[%dma_wait3A_74, %add3A_62] : memref<3x819200xi32, #tpu.memory_space<hbm>> -> memref<3x128xi32, #tpu.memory_space<hbm>>
    tpu.wait_dma2 semaphore(%arg13 : memref<!tpu.dma_semaphore, #tpu.memory_space<semaphore_mem>>) src(%dma_wait3A_75 : memref<3x128xi32, #tpu.memory_space<hbm>>) dst(%dma_wait3A_73 : memref<3x128xi32, #tpu.memory_space<vmem>>)
    %dma_start3A_76 = arith.constant 0 : i32
    %dma_start3A_77 = arith.constant 0 : i32
    %dma_start3A_78 = arith.constant 0 : i32
    %dma_start3A_79 = arith.constant 0 : i32
    %dma_start3A_80 = arith.constant 0 : i32
    %dma_start3A_81 = arith.constant 0 : i32
    %dma_start3A_82 = tpu.memref_slice %arg10[%dma_start3A_78, %dma_start3A_79, %dma_start3A_80, %dma_start3A_81] : memref<2x3x128x128xf32, #tpu.memory_space<vmem>> -> memref<1x1x128x128xf32, #tpu.memory_space<vmem>>
    %dma_start3A_83 = tpu.memref_squeeze %dma_start3A_82 : memref<1x1x128x128xf32, #tpu.memory_space<vmem>> -> memref<128x128xf32, #tpu.memory_space<vmem>>
    %dma_start3A_84 = arith.constant 0 : i32
    %dma_start3A_85 = tpu.memref_slice %arg9[%dma_start3A_76, %dma_start3A_77, %dma_start3A_84] : memref<2x3x128xi32, #tpu.memory_space<vmem>> -> memref<1x1x128xi32, #tpu.memory_space<vmem>>
    %dma_start3A_86 = tpu.memref_squeeze %dma_start3A_85 : memref<1x1x128xi32, #tpu.memory_space<vmem>> -> memref<128xi32, #tpu.memory_space<vmem>>
    %dma_start3A_87 = arith.constant 0 : i32
    %dma_start3A_88 = arith.constant 0 : i32
    %dma_start3A_89 = tpu.memref_slice %arg4[%dma_start3A_87, %dma_start3A_88] : memref<1024x128xf32, #tpu.memory_space<hbm>> -> memref<1024x128xf32, #tpu.memory_space<hbm>>
    tpu.enqueue_indirect_dma source(%dma_start3A_89 : memref<1024x128xf32, #tpu.memory_space<hbm>>) target(%dma_start3A_83 : memref<128x128xf32, #tpu.memory_space<vmem>>) offsets(%dma_start3A_86 : memref<128xi32, #tpu.memory_space<vmem>>) semaphore(%arg15 : memref<!tpu.dma_semaphore, #tpu.memory_space<semaphore_mem>>)
    %dma_start3A_90 = arith.constant 0 : i32
    %dma_start3A_91 = arith.constant 1 : i32
    %dma_start3A_92 = arith.constant 0 : i32
    %dma_start3A_93 = arith.constant 1 : i32
    %dma_start3A_94 = arith.constant 0 : i32
    %dma_start3A_95 = arith.constant 0 : i32
    %dma_start3A_96 = tpu.memref_slice %arg10[%dma_start3A_92, %dma_start3A_93, %dma_start3A_94, %dma_start3A_95] : memref<2x3x128x128xf32, #tpu.memory_space<vmem>> -> memref<1x1x128x128xf32, #tpu.memory_space<vmem>>
    %dma_start3A_97 = tpu.memref_squeeze %dma_start3A_96 : memref<1x1x128x128xf32, #tpu.memory_space<vmem>> -> memref<128x128xf32, #tpu.memory_space<vmem>>
    %dma_start3A_98 = arith.constant 0 : i32
    %dma_start3A_99 = tpu.memref_slice %arg9[%dma_start3A_90, %dma_start3A_91, %dma_start3A_98] : memref<2x3x128xi32, #tpu.memory_space<vmem>> -> memref<1x1x128xi32, #tpu.memory_space<vmem>>
    %dma_start3A_100 = tpu.memref_squeeze %dma_start3A_99 : memref<1x1x128xi32, #tpu.memory_space<vmem>> -> memref<128xi32, #tpu.memory_space<vmem>>
    %dma_start3A_101 = arith.constant 0 : i32
    %dma_start3A_102 = arith.constant 0 : i32
    %dma_start3A_103 = tpu.memref_slice %arg5[%dma_start3A_101, %dma_start3A_102] : memref<1024x128xf32, #tpu.memory_space<hbm>> -> memref<1024x128xf32, #tpu.memory_space<hbm>>
    tpu.enqueue_indirect_dma source(%dma_start3A_103 : memref<1024x128xf32, #tpu.memory_space<hbm>>) target(%dma_start3A_97 : memref<128x128xf32, #tpu.memory_space<vmem>>) offsets(%dma_start3A_100 : memref<128xi32, #tpu.memory_space<vmem>>) semaphore(%arg15 : memref<!tpu.dma_semaphore, #tpu.memory_space<semaphore_mem>>)
    %dma_start3A_104 = arith.constant 0 : i32
    %dma_start3A_105 = arith.constant 2 : i32
    %dma_start3A_106 = arith.constant 0 : i32
    %dma_start3A_107 = arith.constant 2 : i32
    %dma_start3A_108 = arith.constant 0 : i32
    %dma_start3A_109 = arith.constant 0 : i32
    %dma_start3A_110 = tpu.memref_slice %arg10[%dma_start3A_106, %dma_start3A_107, %dma_start3A_108, %dma_start3A_109] : memref<2x3x128x128xf32, #tpu.memory_space<vmem>> -> memref<1x1x128x128xf32, #tpu.memory_space<vmem>>
    %dma_start3A_111 = tpu.memref_squeeze %dma_start3A_110 : memref<1x1x128x128xf32, #tpu.memory_space<vmem>> -> memref<128x128xf32, #tpu.memory_space<vmem>>
    %dma_start3A_112 = arith.constant 0 : i32
    %dma_start3A_113 = tpu.memref_slice %arg9[%dma_start3A_104, %dma_start3A_105, %dma_start3A_112] : memref<2x3x128xi32, #tpu.memory_space<vmem>> -> memref<1x1x128xi32, #tpu.memory_space<vmem>>
    %dma_start3A_114 = tpu.memref_squeeze %dma_start3A_113 : memref<1x1x128xi32, #tpu.memory_space<vmem>> -> memref<128xi32, #tpu.memory_space<vmem>>
    %dma_start3A_115 = arith.constant 0 : i32
    %dma_start3A_116 = arith.constant 0 : i32
    %dma_start3A_117 = tpu.memref_slice %arg6[%dma_start3A_115, %dma_start3A_116] : memref<1024x128xf32, #tpu.memory_space<hbm>> -> memref<1024x128xf32, #tpu.memory_space<hbm>>
    tpu.enqueue_indirect_dma source(%dma_start3A_117 : memref<1024x128xf32, #tpu.memory_space<hbm>>) target(%dma_start3A_111 : memref<128x128xf32, #tpu.memory_space<vmem>>) offsets(%dma_start3A_114 : memref<128xi32, #tpu.memory_space<vmem>>) semaphore(%arg15 : memref<!tpu.dma_semaphore, #tpu.memory_space<semaphore_mem>>)
    %add3A_118 = arith.constant 128 : i32
    %add3A_119 = arith.addi %mul3A_2, %add3A_118 : i32
    %dma_start3A_120 = arith.constant 1 : i32
    %dma_start3A_121 = arith.constant 0 : i32
    %dma_start3A_122 = arith.constant 0 : i32
    %dma_start3A_123 = tpu.memref_slice %arg9[%dma_start3A_120, %dma_start3A_121, %dma_start3A_122] : memref<2x3x128xi32, #tpu.memory_space<vmem>> -> memref<1x3x128xi32, #tpu.memory_space<vmem>>
    %dma_start3A_124 = tpu.memref_squeeze %dma_start3A_123 : memref<1x3x128xi32, #tpu.memory_space<vmem>> -> memref<3x128xi32, #tpu.memory_space<vmem>>
    %dma_start3A_125 = arith.constant 0 : i32
    %dma_start3A_126 = tpu.memref_slice %arg2[%dma_start3A_125, %add3A_119] : memref<3x819200xi32, #tpu.memory_space<hbm>> -> memref<3x128xi32, #tpu.memory_space<hbm>>
    %dma_start3A_127 = arith.constant 0 : i32
    %dma_start3A_128 = arith.constant 0 : i32
    %dma_start3A_129 = tpu.memref_slice %arg9[%dma_start3A_120, %dma_start3A_127, %dma_start3A_128] : memref<2x3x128xi32, #tpu.memory_space<vmem>> -> memref<1x3x128xi32, #tpu.memory_space<vmem>>
    %dma_start3A_130 = tpu.memref_squeeze %dma_start3A_129 : memref<1x3x128xi32, #tpu.memory_space<vmem>> -> memref<3x128xi32, #tpu.memory_space<vmem>>
    %dma_start3A_131 = arith.constant 0 : i32
    %dma_start3A_132 = tpu.memref_slice %arg2[%dma_start3A_131, %add3A_119] : memref<3x819200xi32, #tpu.memory_space<hbm>> -> memref<3x128xi32, #tpu.memory_space<hbm>>
    tpu.enqueue_dma source(%dma_start3A_132 : memref<3x128xi32, #tpu.memory_space<hbm>>) target(%dma_start3A_130 : memref<3x128xi32, #tpu.memory_space<vmem>>) target_semaphore(%arg14 : memref<!tpu.dma_semaphore, #tpu.memory_space<semaphore_mem>>)
    %scan3A = arith.constant 0 : i32
    %scan3A_133 = arith.constant 0 : i32
    %scan3A_134 = arith.constant 100 : i32
    %scan3A_135 = arith.addi %scan3A_133, %scan3A_134 : i32
    %scan3A_136 = arith.constant 1 : i32
    %scan3A_137 = scf.for %scan3A_155 = %scan3A_133 to %scan3A_135 step %scan3A_136 iter_args(%scan3A_156 = %scan3A) -> (i32)  : i32 {
      %mul3A_157 = arith.constant 2 : i32
      %mul3A_158 = arith.muli %mul3A_157, %scan3A_155 : i32
      %add3A_159 = arith.constant 0 : i32
      %add3A_160 = arith.addi %mul3A_158, %add3A_159 : i32
      %add3A_161 = arith.constant 1 : i32
      %add3A_162 = arith.addi %add3A_160, %add3A_161 : i32
      %lt3A = arith.constant 200 : i32
      %lt3A_163 = arith.cmpi slt, %add3A_162, %lt3A : i32
      %convert_element_type3A = arith.extui %lt3A_163 : i1 to i32
      %cond3A = arith.constant 0 : i32
      %cond3A_164 = arith.cmpi ne, %convert_element_type3A, %cond3A : i32
      scf.if %cond3A_164 {
        %add3A_337 = arith.constant 1 : i32
        %add3A_338 = arith.addi %add3A_160, %add3A_337 : i32
        %mul3A_339 = arith.constant 128 : i32
        %mul3A_340 = arith.muli %add3A_338, %mul3A_339 : i32
        %add3A_341 = arith.addi %mul3A_2, %mul3A_340 : i32
        %dma_wait3A_342 = arith.constant 1 : i32
        %dma_wait3A_343 = arith.constant 0 : i32
        %dma_wait3A_344 = arith.constant 0 : i32
        %dma_wait3A_345 = tpu.memref_slice %arg9[%dma_wait3A_342, %dma_wait3A_343, %dma_wait3A_344] : memref<2x3x128xi32, #tpu.memory_space<vmem>> -> memref<1x3x128xi32, #tpu.memory_space<vmem>>
        %dma_wait3A_346 = tpu.memref_squeeze %dma_wait3A_345 : memref<1x3x128xi32, #tpu.memory_space<vmem>> -> memref<3x128xi32, #tpu.memory_space<vmem>>
        %dma_wait3A_347 = arith.constant 0 : i32
        %dma_wait3A_348 = tpu.memref_slice %arg2[%dma_wait3A_347, %add3A_341] : memref<3x819200xi32, #tpu.memory_space<hbm>> -> memref<3x128xi32, #tpu.memory_space<hbm>>
        %dma_wait3A_349 = arith.constant 0 : i32
        %dma_wait3A_350 = arith.constant 0 : i32
        %dma_wait3A_351 = tpu.memref_slice %arg9[%dma_wait3A_342, %dma_wait3A_349, %dma_wait3A_350] : memref<2x3x128xi32, #tpu.memory_space<vmem>> -> memref<1x3x128xi32, #tpu.memory_space<vmem>>
        %dma_wait3A_352 = tpu.memref_squeeze %dma_wait3A_351 : memref<1x3x128xi32, #tpu.memory_space<vmem>> -> memref<3x128xi32, #tpu.memory_space<vmem>>
        %dma_wait3A_353 = arith.constant 0 : i32
        %dma_wait3A_354 = tpu.memref_slice %arg2[%dma_wait3A_353, %add3A_341] : memref<3x819200xi32, #tpu.memory_space<hbm>> -> memref<3x128xi32, #tpu.memory_space<hbm>>
        tpu.wait_dma2 semaphore(%arg14 : memref<!tpu.dma_semaphore, #tpu.memory_space<semaphore_mem>>) src(%dma_wait3A_354 : memref<3x128xi32, #tpu.memory_space<hbm>>) dst(%dma_wait3A_352 : memref<3x128xi32, #tpu.memory_space<vmem>>)
        %dma_start3A_355 = arith.constant 1 : i32
        %dma_start3A_356 = arith.constant 1 : i32
        %dma_start3A_357 = arith.constant 1 : i32
        %dma_start3A_358 = arith.constant 1 : i32
        %dma_start3A_359 = arith.constant 0 : i32
        %dma_start3A_360 = arith.constant 0 : i32
        %dma_start3A_361 = tpu.memref_slice %arg10[%dma_start3A_357, %dma_start3A_358, %dma_start3A_359, %dma_start3A_360] : memref<2x3x128x128xf32, #tpu.memory_space<vmem>> -> memref<1x1x128x128xf32, #tpu.memory_space<vmem>>
        %dma_start3A_362 = tpu.memref_squeeze %dma_start3A_361 : memref<1x1x128x128xf32, #tpu.memory_space<vmem>> -> memref<128x128xf32, #tpu.memory_space<vmem>>
        %dma_start3A_363 = arith.constant 0 : i32
        %dma_start3A_364 = tpu.memref_slice %arg9[%dma_start3A_355, %dma_start3A_356, %dma_start3A_363] : memref<2x3x128xi32, #tpu.memory_space<vmem>> -> memref<1x1x128xi32, #tpu.memory_space<vmem>>
        %dma_start3A_365 = tpu.memref_squeeze %dma_start3A_364 : memref<1x1x128xi32, #tpu.memory_space<vmem>> -> memref<128xi32, #tpu.memory_space<vmem>>
        %dma_start3A_366 = arith.constant 0 : i32
        %dma_start3A_367 = arith.constant 0 : i32
        %dma_start3A_368 = tpu.memref_slice %arg5[%dma_start3A_366, %dma_start3A_367] : memref<1024x128xf32, #tpu.memory_space<hbm>> -> memref<1024x128xf32, #tpu.memory_space<hbm>>
        tpu.enqueue_indirect_dma source(%dma_start3A_368 : memref<1024x128xf32, #tpu.memory_space<hbm>>) target(%dma_start3A_362 : memref<128x128xf32, #tpu.memory_space<vmem>>) offsets(%dma_start3A_365 : memref<128xi32, #tpu.memory_space<vmem>>) semaphore(%arg16 : memref<!tpu.dma_semaphore, #tpu.memory_space<semaphore_mem>>)
        %dma_start3A_369 = arith.constant 1 : i32
        %dma_start3A_370 = arith.constant 2 : i32
        %dma_start3A_371 = arith.constant 1 : i32
        %dma_start3A_372 = arith.constant 2 : i32
        %dma_start3A_373 = arith.constant 0 : i32
        %dma_start3A_374 = arith.constant 0 : i32
        %dma_start3A_375 = tpu.memref_slice %arg10[%dma_start3A_371, %dma_start3A_372, %dma_start3A_373, %dma_start3A_374] : memref<2x3x128x128xf32, #tpu.memory_space<vmem>> -> memref<1x1x128x128xf32, #tpu.memory_space<vmem>>
        %dma_start3A_376 = tpu.memref_squeeze %dma_start3A_375 : memref<1x1x128x128xf32, #tpu.memory_space<vmem>> -> memref<128x128xf32, #tpu.memory_space<vmem>>
        %dma_start3A_377 = arith.constant 0 : i32
        %dma_start3A_378 = tpu.memref_slice %arg9[%dma_start3A_369, %dma_start3A_370, %dma_start3A_377] : memref<2x3x128xi32, #tpu.memory_space<vmem>> -> memref<1x1x128xi32, #tpu.memory_space<vmem>>
        %dma_start3A_379 = tpu.memref_squeeze %dma_start3A_378 : memref<1x1x128xi32, #tpu.memory_space<vmem>> -> memref<128xi32, #tpu.memory_space<vmem>>
        %dma_start3A_380 = arith.constant 0 : i32
        %dma_start3A_381 = arith.constant 0 : i32
        %dma_start3A_382 = tpu.memref_slice %arg6[%dma_start3A_380, %dma_start3A_381] : memref<1024x128xf32, #tpu.memory_space<hbm>> -> memref<1024x128xf32, #tpu.memory_space<hbm>>
        tpu.enqueue_indirect_dma source(%dma_start3A_382 : memref<1024x128xf32, #tpu.memory_space<hbm>>) target(%dma_start3A_376 : memref<128x128xf32, #tpu.memory_space<vmem>>) offsets(%dma_start3A_379 : memref<128xi32, #tpu.memory_space<vmem>>) semaphore(%arg16 : memref<!tpu.dma_semaphore, #tpu.memory_space<semaphore_mem>>)
      } else {
      }
      %gt3A = arith.constant 0 : i32
      %gt3A_165 = arith.cmpi sgt, %add3A_160, %gt3A : i32
      %convert_element_type3A_166 = arith.extui %gt3A_165 : i1 to i32
      %cond3A_167 = arith.constant 0 : i32
      %cond3A_168 = arith.cmpi ne, %convert_element_type3A_166, %cond3A_167 : i32
      scf.if %cond3A_168 {
        %mul3A_337 = arith.constant 128 : i32
        %mul3A_338 = arith.muli %add3A_160, %mul3A_337 : i32
        %add3A_339 = arith.addi %mul3A_2, %mul3A_338 : i32
        %dma_wait3A_340 = arith.constant 1 : i32
        %dma_wait3A_341 = arith.constant 0 : i32
        %dma_wait3A_342 = arith.constant 0 : i32
        %dma_wait3A_343 = arith.constant 0 : i32
        %dma_wait3A_344 = tpu.memref_slice %arg10[%dma_wait3A_340, %dma_wait3A_341, %dma_wait3A_342, %dma_wait3A_343] : memref<2x3x128x128xf32, #tpu.memory_space<vmem>> -> memref<1x1x128x128xf32, #tpu.memory_space<vmem>>
        %dma_wait3A_345 = tpu.memref_squeeze %dma_wait3A_344 : memref<1x1x128x128xf32, #tpu.memory_space<vmem>> -> memref<128x128xf32, #tpu.memory_space<vmem>>
        %dma_wait3A_346 = arith.constant 0 : i32
        %dma_wait3A_347 = tpu.memref_slice %arg8[%add3A_339, %dma_wait3A_346] : memref<819200x128xf32, #tpu.memory_space<hbm>> -> memref<128x128xf32, #tpu.memory_space<hbm>>
        %dma_wait3A_348 = arith.constant 0 : i32
        %dma_wait3A_349 = tpu.memref_slice %arg8[%add3A_339, %dma_wait3A_348] : memref<819200x128xf32, #tpu.memory_space<hbm>> -> memref<128x128xf32, #tpu.memory_space<hbm>>
        %dma_wait3A_350 = arith.constant 0 : i32
        %dma_wait3A_351 = arith.constant 0 : i32
        %dma_wait3A_352 = tpu.memref_slice %arg10[%dma_wait3A_340, %dma_wait3A_341, %dma_wait3A_350, %dma_wait3A_351] : memref<2x3x128x128xf32, #tpu.memory_space<vmem>> -> memref<1x1x128x128xf32, #tpu.memory_space<vmem>>
        %dma_wait3A_353 = tpu.memref_squeeze %dma_wait3A_352 : memref<1x1x128x128xf32, #tpu.memory_space<vmem>> -> memref<128x128xf32, #tpu.memory_space<vmem>>
        tpu.wait_dma2 semaphore(%arg18 : memref<!tpu.dma_semaphore, #tpu.memory_space<semaphore_mem>>) src(%dma_wait3A_353 : memref<128x128xf32, #tpu.memory_space<vmem>>) dst(%dma_wait3A_349 : memref<128x128xf32, #tpu.memory_space<hbm>>)
      } else {
      }
      %add3A_169 = arith.constant 1 : i32
      %add3A_170 = arith.addi %add3A_160, %add3A_169 : i32
      %lt3A_171 = arith.constant 200 : i32
      %lt3A_172 = arith.cmpi slt, %add3A_170, %lt3A_171 : i32
      %convert_element_type3A_173 = arith.extui %lt3A_172 : i1 to i32
      %cond3A_174 = arith.constant 0 : i32
      %cond3A_175 = arith.cmpi ne, %convert_element_type3A_173, %cond3A_174 : i32
      scf.if %cond3A_175 {
        %dma_start3A_337 = arith.constant 1 : i32
        %dma_start3A_338 = arith.constant 0 : i32
        %dma_start3A_339 = arith.constant 1 : i32
        %dma_start3A_340 = arith.constant 0 : i32
        %dma_start3A_341 = arith.constant 0 : i32
        %dma_start3A_342 = arith.constant 0 : i32
        %dma_start3A_343 = tpu.memref_slice %arg10[%dma_start3A_339, %dma_start3A_340, %dma_start3A_341, %dma_start3A_342] : memref<2x3x128x128xf32, #tpu.memory_space<vmem>> -> memref<1x1x128x128xf32, #tpu.memory_space<vmem>>
        %dma_start3A_344 = tpu.memref_squeeze %dma_start3A_343 : memref<1x1x128x128xf32, #tpu.memory_space<vmem>> -> memref<128x128xf32, #tpu.memory_space<vmem>>
        %dma_start3A_345 = arith.constant 0 : i32
        %dma_start3A_346 = tpu.memref_slice %arg9[%dma_start3A_337, %dma_start3A_338, %dma_start3A_345] : memref<2x3x128xi32, #tpu.memory_space<vmem>> -> memref<1x1x128xi32, #tpu.memory_space<vmem>>
        %dma_start3A_347 = tpu.memref_squeeze %dma_start3A_346 : memref<1x1x128xi32, #tpu.memory_space<vmem>> -> memref<128xi32, #tpu.memory_space<vmem>>
        %dma_start3A_348 = arith.constant 0 : i32
        %dma_start3A_349 = arith.constant 0 : i32
        %dma_start3A_350 = tpu.memref_slice %arg4[%dma_start3A_348, %dma_start3A_349] : memref<1024x128xf32, #tpu.memory_space<hbm>> -> memref<1024x128xf32, #tpu.memory_space<hbm>>
        tpu.enqueue_indirect_dma source(%dma_start3A_350 : memref<1024x128xf32, #tpu.memory_space<hbm>>) target(%dma_start3A_344 : memref<128x128xf32, #tpu.memory_space<vmem>>) offsets(%dma_start3A_347 : memref<128xi32, #tpu.memory_space<vmem>>) semaphore(%arg16 : memref<!tpu.dma_semaphore, #tpu.memory_space<semaphore_mem>>)
      } else {
      }
      %dma_wait3A_176 = arith.constant 0 : i32
      %dma_wait3A_177 = arith.constant 0 : i32
      %dma_wait3A_178 = arith.constant 0 : i32
      %dma_wait3A_179 = arith.constant 0 : i32
      %dma_wait3A_180 = arith.constant 0 : i32
      %dma_wait3A_181 = arith.constant 0 : i32
      %dma_wait3A_182 = tpu.memref_slice %arg10[%dma_wait3A_178, %dma_wait3A_179, %dma_wait3A_180, %dma_wait3A_181] : memref<2x3x128x128xf32, #tpu.memory_space<vmem>> -> memref<1x1x128x128xf32, #tpu.memory_space<vmem>>
      %dma_wait3A_183 = tpu.memref_squeeze %dma_wait3A_182 : memref<1x1x128x128xf32, #tpu.memory_space<vmem>> -> memref<128x128xf32, #tpu.memory_space<vmem>>
      %dma_wait3A_184 = arith.constant 0 : i32
      %dma_wait3A_185 = tpu.memref_slice %arg9[%dma_wait3A_176, %dma_wait3A_177, %dma_wait3A_184] : memref<2x3x128xi32, #tpu.memory_space<vmem>> -> memref<1x1x128xi32, #tpu.memory_space<vmem>>
      %dma_wait3A_186 = tpu.memref_squeeze %dma_wait3A_185 : memref<1x1x128xi32, #tpu.memory_space<vmem>> -> memref<128xi32, #tpu.memory_space<vmem>>
      %dma_wait3A_187 = arith.constant 0 : i32
      %dma_wait3A_188 = arith.constant 0 : i32
      %dma_wait3A_189 = tpu.memref_slice %arg4[%dma_wait3A_187, %dma_wait3A_188] : memref<1024x128xf32, #tpu.memory_space<hbm>> -> memref<1024x128xf32, #tpu.memory_space<hbm>>
      tpu.wait_indirect_dma semaphore(%arg15 : memref<!tpu.dma_semaphore, #tpu.memory_space<semaphore_mem>>) src(%dma_wait3A_189 : memref<1024x128xf32, #tpu.memory_space<hbm>>) dst(%dma_wait3A_183 : memref<128x128xf32, #tpu.memory_space<vmem>>)
      %dma_wait3A_190 = arith.constant 0 : i32
      %dma_wait3A_191 = arith.constant 1 : i32
      %dma_wait3A_192 = arith.constant 0 : i32
      %dma_wait3A_193 = arith.constant 1 : i32
      %dma_wait3A_194 = arith.constant 0 : i32
      %dma_wait3A_195 = arith.constant 0 : i32
      %dma_wait3A_196 = tpu.memref_slice %arg10[%dma_wait3A_192, %dma_wait3A_193, %dma_wait3A_194, %dma_wait3A_195] : memref<2x3x128x128xf32, #tpu.memory_space<vmem>> -> memref<1x1x128x128xf32, #tpu.memory_space<vmem>>
      %dma_wait3A_197 = tpu.memref_squeeze %dma_wait3A_196 : memref<1x1x128x128xf32, #tpu.memory_space<vmem>> -> memref<128x128xf32, #tpu.memory_space<vmem>>
      %dma_wait3A_198 = arith.constant 0 : i32
      %dma_wait3A_199 = tpu.memref_slice %arg9[%dma_wait3A_190, %dma_wait3A_191, %dma_wait3A_198] : memref<2x3x128xi32, #tpu.memory_space<vmem>> -> memref<1x1x128xi32, #tpu.memory_space<vmem>>
      %dma_wait3A_200 = tpu.memref_squeeze %dma_wait3A_199 : memref<1x1x128xi32, #tpu.memory_space<vmem>> -> memref<128xi32, #tpu.memory_space<vmem>>
      %dma_wait3A_201 = arith.constant 0 : i32
      %dma_wait3A_202 = arith.constant 0 : i32
      %dma_wait3A_203 = tpu.memref_slice %arg5[%dma_wait3A_201, %dma_wait3A_202] : memref<1024x128xf32, #tpu.memory_space<hbm>> -> memref<1024x128xf32, #tpu.memory_space<hbm>>
      tpu.wait_indirect_dma semaphore(%arg15 : memref<!tpu.dma_semaphore, #tpu.memory_space<semaphore_mem>>) src(%dma_wait3A_203 : memref<1024x128xf32, #tpu.memory_space<hbm>>) dst(%dma_wait3A_197 : memref<128x128xf32, #tpu.memory_space<vmem>>)
      %dma_wait3A_204 = arith.constant 0 : i32
      %dma_wait3A_205 = arith.constant 2 : i32
      %dma_wait3A_206 = arith.constant 0 : i32
      %dma_wait3A_207 = arith.constant 2 : i32
      %dma_wait3A_208 = arith.constant 0 : i32
      %dma_wait3A_209 = arith.constant 0 : i32
      %dma_wait3A_210 = tpu.memref_slice %arg10[%dma_wait3A_206, %dma_wait3A_207, %dma_wait3A_208, %dma_wait3A_209] : memref<2x3x128x128xf32, #tpu.memory_space<vmem>> -> memref<1x1x128x128xf32, #tpu.memory_space<vmem>>
      %dma_wait3A_211 = tpu.memref_squeeze %dma_wait3A_210 : memref<1x1x128x128xf32, #tpu.memory_space<vmem>> -> memref<128x128xf32, #tpu.memory_space<vmem>>
      %dma_wait3A_212 = arith.constant 0 : i32
      %dma_wait3A_213 = tpu.memref_slice %arg9[%dma_wait3A_204, %dma_wait3A_205, %dma_wait3A_212] : memref<2x3x128xi32, #tpu.memory_space<vmem>> -> memref<1x1x128xi32, #tpu.memory_space<vmem>>
      %dma_wait3A_214 = tpu.memref_squeeze %dma_wait3A_213 : memref<1x1x128xi32, #tpu.memory_space<vmem>> -> memref<128xi32, #tpu.memory_space<vmem>>
      %dma_wait3A_215 = arith.constant 0 : i32
      %dma_wait3A_216 = arith.constant 0 : i32
      %dma_wait3A_217 = tpu.memref_slice %arg6[%dma_wait3A_215, %dma_wait3A_216] : memref<1024x128xf32, #tpu.memory_space<hbm>> -> memref<1024x128xf32, #tpu.memory_space<hbm>>
      tpu.wait_indirect_dma semaphore(%arg15 : memref<!tpu.dma_semaphore, #tpu.memory_space<semaphore_mem>>) src(%dma_wait3A_217 : memref<1024x128xf32, #tpu.memory_space<hbm>>) dst(%dma_wait3A_211 : memref<128x128xf32, #tpu.memory_space<vmem>>)
      %add3A_218 = arith.constant 2 : i32
      %add3A_219 = arith.addi %add3A_160, %add3A_218 : i32
      %lt3A_220 = arith.constant 200 : i32
      %lt3A_221 = arith.cmpi slt, %add3A_219, %lt3A_220 : i32
      %convert_element_type3A_222 = arith.extui %lt3A_221 : i1 to i32
      %cond3A_223 = arith.constant 0 : i32
      %cond3A_224 = arith.cmpi ne, %convert_element_type3A_222, %cond3A_223 : i32
      scf.if %cond3A_224 {
        %add3A_337 = arith.constant 2 : i32
        %add3A_338 = arith.addi %add3A_160, %add3A_337 : i32
        %mul3A_339 = arith.constant 128 : i32
        %mul3A_340 = arith.muli %add3A_338, %mul3A_339 : i32
        %add3A_341 = arith.addi %mul3A_2, %mul3A_340 : i32
        %dma_start3A_342 = arith.constant 0 : i32
        %dma_start3A_343 = arith.constant 0 : i32
        %dma_start3A_344 = arith.constant 0 : i32
        %dma_start3A_345 = tpu.memref_slice %arg9[%dma_start3A_342, %dma_start3A_343, %dma_start3A_344] : memref<2x3x128xi32, #tpu.memory_space<vmem>> -> memref<1x3x128xi32, #tpu.memory_space<vmem>>
        %dma_start3A_346 = tpu.memref_squeeze %dma_start3A_345 : memref<1x3x128xi32, #tpu.memory_space<vmem>> -> memref<3x128xi32, #tpu.memory_space<vmem>>
        %dma_start3A_347 = arith.constant 0 : i32
        %dma_start3A_348 = tpu.memref_slice %arg2[%dma_start3A_347, %add3A_341] : memref<3x819200xi32, #tpu.memory_space<hbm>> -> memref<3x128xi32, #tpu.memory_space<hbm>>
        %dma_start3A_349 = arith.constant 0 : i32
        %dma_start3A_350 = arith.constant 0 : i32
        %dma_start3A_351 = tpu.memref_slice %arg9[%dma_start3A_342, %dma_start3A_349, %dma_start3A_350] : memref<2x3x128xi32, #tpu.memory_space<vmem>> -> memref<1x3x128xi32, #tpu.memory_space<vmem>>
        %dma_start3A_352 = tpu.memref_squeeze %dma_start3A_351 : memref<1x3x128xi32, #tpu.memory_space<vmem>> -> memref<3x128xi32, #tpu.memory_space<vmem>>
        %dma_start3A_353 = arith.constant 0 : i32
        %dma_start3A_354 = tpu.memref_slice %arg2[%dma_start3A_353, %add3A_341] : memref<3x819200xi32, #tpu.memory_space<hbm>> -> memref<3x128xi32, #tpu.memory_space<hbm>>
        tpu.enqueue_dma source(%dma_start3A_354 : memref<3x128xi32, #tpu.memory_space<hbm>>) target(%dma_start3A_352 : memref<3x128xi32, #tpu.memory_space<vmem>>) target_semaphore(%arg13 : memref<!tpu.dma_semaphore, #tpu.memory_space<semaphore_mem>>)
      } else {
      }
      %parallel_loop3A = arith.constant 0 : i32
      %parallel_loop3A_225 = arith.constant 128 : i32
      %parallel_loop3A_226 = arith.constant 1 : i32
      scf.for %parallel_loop3A_337 = %parallel_loop3A to %parallel_loop3A_225 step %parallel_loop3A_226  : i32 {
        %parallel_loop3A_338 = arith.constant 0 : i32
        %parallel_loop3A_339 = arith.constant 0 : i32
        %parallel_loop3A_340 = arith.index_cast %parallel_loop3A_338 : i32 to index
        %parallel_loop3A_341 = arith.index_cast %parallel_loop3A_339 : i32 to index
        %parallel_loop3A_342 = arith.index_cast %parallel_loop3A_337 : i32 to index
        %parallel_loop3A_343 = arith.constant 0 : index
        %parallel_loop3A_344 = tpu.vector_load %arg10[%parallel_loop3A_340, %parallel_loop3A_341, %parallel_loop3A_342, %parallel_loop3A_343] {strides = array<i32>} : memref<2x3x128x128xf32, #tpu.memory_space<vmem>>, vector<1x1x1x16xf32>,
        %parallel_loop3A_345 = vector.shape_cast %parallel_loop3A_344 : vector<1x1x1x16xf32> to vector<16xf32>
        %parallel_loop3A_346 = arith.constant 0 : i32
        %parallel_loop3A_347 = arith.constant 1 : i32
        %parallel_loop3A_348 = arith.index_cast %parallel_loop3A_346 : i32 to index
        %parallel_loop3A_349 = arith.index_cast %parallel_loop3A_347 : i32 to index
        %parallel_loop3A_350 = arith.index_cast %parallel_loop3A_337 : i32 to index
        %parallel_loop3A_351 = arith.constant 0 : index
        %parallel_loop3A_352 = tpu.vector_load %arg10[%parallel_loop3A_348, %parallel_loop3A_349, %parallel_loop3A_350, %parallel_loop3A_351] {strides = array<i32>} : memref<2x3x128x128xf32, #tpu.memory_space<vmem>>, vector<1x1x1x16xf32>,
        %parallel_loop3A_353 = vector.shape_cast %parallel_loop3A_352 : vector<1x1x1x16xf32> to vector<16xf32>
        %parallel_loop3A_354 = arith.addf %parallel_loop3A_345, %parallel_loop3A_353 : vector<16xf32>
        %parallel_loop3A_355 = arith.constant 0 : i32
        %parallel_loop3A_356 = arith.constant 2 : i32
        %parallel_loop3A_357 = arith.index_cast %parallel_loop3A_355 : i32 to index
        %parallel_loop3A_358 = arith.index_cast %parallel_loop3A_356 : i32 to index
        %parallel_loop3A_359 = arith.index_cast %parallel_loop3A_337 : i32 to index
        %parallel_loop3A_360 = arith.constant 0 : index
        %parallel_loop3A_361 = tpu.vector_load %arg10[%parallel_loop3A_357, %parallel_loop3A_358, %parallel_loop3A_359, %parallel_loop3A_360] {strides = array<i32>} : memref<2x3x128x128xf32, #tpu.memory_space<vmem>>, vector<1x1x1x16xf32>,
        %parallel_loop3A_362 = vector.shape_cast %parallel_loop3A_361 : vector<1x1x1x16xf32> to vector<16xf32>
        %parallel_loop3A_363 = arith.addf %parallel_loop3A_354, %parallel_loop3A_362 : vector<16xf32>
        %parallel_loop3A_364 = arith.addf %parallel_loop3A_363, %get3A_10 : vector<16xf32>
        %parallel_loop3A_365 = arith.constant 0 : i32
        %parallel_loop3A_366 = arith.constant 0 : i32
        %parallel_loop3A_367 = arith.index_cast %parallel_loop3A_365 : i32 to index
        %parallel_loop3A_368 = arith.index_cast %parallel_loop3A_366 : i32 to index
        %parallel_loop3A_369 = arith.index_cast %parallel_loop3A_337 : i32 to index
        %parallel_loop3A_370 = arith.constant 0 : index
        %parallel_loop3A_371 = tpu.vector_load %arg10[%parallel_loop3A_367, %parallel_loop3A_368, %parallel_loop3A_369, %parallel_loop3A_370] {strides = array<i32>} : memref<2x3x128x128xf32, #tpu.memory_space<vmem>>, vector<1x1x1x16xf32>,
        %parallel_loop3A_372 = vector.shape_cast %parallel_loop3A_371 : vector<1x1x1x16xf32> to vector<16xf32>
        %parallel_loop3A_373 = vector.shape_cast %parallel_loop3A_364 : vector<16xf32> to vector<1x1x1x16xf32>
        tpu.vector_store %arg10[%parallel_loop3A_367, %parallel_loop3A_368, %parallel_loop3A_369, %parallel_loop3A_370], %parallel_loop3A_373 {strides = array<i32>} : memref<2x3x128x128xf32, #tpu.memory_space<vmem>>, vector<1x1x1x16xf32>,
        %parallel_loop3A_374 = arith.constant 0 : i32
        %parallel_loop3A_375 = arith.constant 0 : i32
        %parallel_loop3A_376 = arith.index_cast %parallel_loop3A_374 : i32 to index
        %parallel_loop3A_377 = arith.index_cast %parallel_loop3A_375 : i32 to index
        %parallel_loop3A_378 = arith.index_cast %parallel_loop3A_337 : i32 to index
        %parallel_loop3A_379 = arith.constant 16 : index
        %parallel_loop3A_380 = tpu.vector_load %arg10[%parallel_loop3A_376, %parallel_loop3A_377, %parallel_loop3A_378, %parallel_loop3A_379] {strides = array<i32>} : memref<2x3x128x128xf32, #tpu.memory_space<vmem>>, vector<1x1x1x16xf32>,
        %parallel_loop3A_381 = vector.shape_cast %parallel_loop3A_380 : vector<1x1x1x16xf32> to vector<16xf32>
        %parallel_loop3A_382 = arith.constant 0 : i32
        %parallel_loop3A_383 = arith.constant 1 : i32
        %parallel_loop3A_384 = arith.index_cast %parallel_loop3A_382 : i32 to index
        %parallel_loop3A_385 = arith.index_cast %parallel_loop3A_383 : i32 to index
        %parallel_loop3A_386 = arith.index_cast %parallel_loop3A_337 : i32 to index
        %parallel_loop3A_387 = arith.constant 16 : index
        %parallel_loop3A_388 = tpu.vector_load %arg10[%parallel_loop3A_384, %parallel_loop3A_385, %parallel_loop3A_386, %parallel_loop3A_387] {strides = array<i32>} : memref<2x3x128x128xf32, #tpu.memory_space<vmem>>, vector<1x1x1x16xf32>,
        %parallel_loop3A_389 = vector.shape_cast %parallel_loop3A_388 : vector<1x1x1x16xf32> to vector<16xf32>
        %parallel_loop3A_390 = arith.addf %parallel_loop3A_381, %parallel_loop3A_389 : vector<16xf32>
        %parallel_loop3A_391 = arith.constant 0 : i32
        %parallel_loop3A_392 = arith.constant 2 : i32
        %parallel_loop3A_393 = arith.index_cast %parallel_loop3A_391 : i32 to index
        %parallel_loop3A_394 = arith.index_cast %parallel_loop3A_392 : i32 to index
        %parallel_loop3A_395 = arith.index_cast %parallel_loop3A_337 : i32 to index
        %parallel_loop3A_396 = arith.constant 16 : index
        %parallel_loop3A_397 = tpu.vector_load %arg10[%parallel_loop3A_393, %parallel_loop3A_394, %parallel_loop3A_395, %parallel_loop3A_396] {strides = array<i32>} : memref<2x3x128x128xf32, #tpu.memory_space<vmem>>, vector<1x1x1x16xf32>,
        %parallel_loop3A_398 = vector.shape_cast %parallel_loop3A_397 : vector<1x1x1x16xf32> to vector<16xf32>
        %parallel_loop3A_399 = arith.addf %parallel_loop3A_390, %parallel_loop3A_398 : vector<16xf32>
        %parallel_loop3A_400 = arith.addf %parallel_loop3A_399, %get3A_15 : vector<16xf32>
        %parallel_loop3A_401 = arith.constant 0 : i32
        %parallel_loop3A_402 = arith.constant 0 : i32
        %parallel_loop3A_403 = arith.index_cast %parallel_loop3A_401 : i32 to index
        %parallel_loop3A_404 = arith.index_cast %parallel_loop3A_402 : i32 to index
        %parallel_loop3A_405 = arith.index_cast %parallel_loop3A_337 : i32 to index
        %parallel_loop3A_406 = arith.constant 16 : index
        %parallel_loop3A_407 = tpu.vector_load %arg10[%parallel_loop3A_403, %parallel_loop3A_404, %parallel_loop3A_405, %parallel_loop3A_406] {strides = array<i32>} : memref<2x3x128x128xf32, #tpu.memory_space<vmem>>, vector<1x1x1x16xf32>,
        %parallel_loop3A_408 = vector.shape_cast %parallel_loop3A_407 : vector<1x1x1x16xf32> to vector<16xf32>
        %parallel_loop3A_409 = vector.shape_cast %parallel_loop3A_400 : vector<16xf32> to vector<1x1x1x16xf32>
        tpu.vector_store %arg10[%parallel_loop3A_403, %parallel_loop3A_404, %parallel_loop3A_405, %parallel_loop3A_406], %parallel_loop3A_409 {strides = array<i32>} : memref<2x3x128x128xf32, #tpu.memory_space<vmem>>, vector<1x1x1x16xf32>,
        %parallel_loop3A_410 = arith.constant 0 : i32
        %parallel_loop3A_411 = arith.constant 0 : i32
        %parallel_loop3A_412 = arith.index_cast %parallel_loop3A_410 : i32 to index
        %parallel_loop3A_413 = arith.index_cast %parallel_loop3A_411 : i32 to index
        %parallel_loop3A_414 = arith.index_cast %parallel_loop3A_337 : i32 to index
        %parallel_loop3A_415 = arith.constant 32 : index
        %parallel_loop3A_416 = tpu.vector_load %arg10[%parallel_loop3A_412, %parallel_loop3A_413, %parallel_loop3A_414, %parallel_loop3A_415] {strides = array<i32>} : memref<2x3x128x128xf32, #tpu.memory_space<vmem>>, vector<1x1x1x16xf32>,
        %parallel_loop3A_417 = vector.shape_cast %parallel_loop3A_416 : vector<1x1x1x16xf32> to vector<16xf32>
        %parallel_loop3A_418 = arith.constant 0 : i32
        %parallel_loop3A_419 = arith.constant 1 : i32
        %parallel_loop3A_420 = arith.index_cast %parallel_loop3A_418 : i32 to index
        %parallel_loop3A_421 = arith.index_cast %parallel_loop3A_419 : i32 to index
        %parallel_loop3A_422 = arith.index_cast %parallel_loop3A_337 : i32 to index
        %parallel_loop3A_423 = arith.constant 32 : index
        %parallel_loop3A_424 = tpu.vector_load %arg10[%parallel_loop3A_420, %parallel_loop3A_421, %parallel_loop3A_422, %parallel_loop3A_423] {strides = array<i32>} : memref<2x3x128x128xf32, #tpu.memory_space<vmem>>, vector<1x1x1x16xf32>,
        %parallel_loop3A_425 = vector.shape_cast %parallel_loop3A_424 : vector<1x1x1x16xf32> to vector<16xf32>
        %parallel_loop3A_426 = arith.addf %parallel_loop3A_417, %parallel_loop3A_425 : vector<16xf32>
        %parallel_loop3A_427 = arith.constant 0 : i32
        %parallel_loop3A_428 = arith.constant 2 : i32
        %parallel_loop3A_429 = arith.index_cast %parallel_loop3A_427 : i32 to index
        %parallel_loop3A_430 = arith.index_cast %parallel_loop3A_428 : i32 to index
        %parallel_loop3A_431 = arith.index_cast %parallel_loop3A_337 : i32 to index
        %parallel_loop3A_432 = arith.constant 32 : index
        %parallel_loop3A_433 = tpu.vector_load %arg10[%parallel_loop3A_429, %parallel_loop3A_430, %parallel_loop3A_431, %parallel_loop3A_432] {strides = array<i32>} : memref<2x3x128x128xf32, #tpu.memory_space<vmem>>, vector<1x1x1x16xf32>,
        %parallel_loop3A_434 = vector.shape_cast %parallel_loop3A_433 : vector<1x1x1x16xf32> to vector<16xf32>
        %parallel_loop3A_435 = arith.addf %parallel_loop3A_426, %parallel_loop3A_434 : vector<16xf32>
        %parallel_loop3A_436 = arith.addf %parallel_loop3A_435, %get3A_20 : vector<16xf32>
        %parallel_loop3A_437 = arith.constant 0 : i32
        %parallel_loop3A_438 = arith.constant 0 : i32
        %parallel_loop3A_439 = arith.index_cast %parallel_loop3A_437 : i32 to index
        %parallel_loop3A_440 = arith.index_cast %parallel_loop3A_438 : i32 to index
        %parallel_loop3A_441 = arith.index_cast %parallel_loop3A_337 : i32 to index
        %parallel_loop3A_442 = arith.constant 32 : index
        %parallel_loop3A_443 = tpu.vector_load %arg10[%parallel_loop3A_439, %parallel_loop3A_440, %parallel_loop3A_441, %parallel_loop3A_442] {strides = array<i32>} : memref<2x3x128x128xf32, #tpu.memory_space<vmem>>, vector<1x1x1x16xf32>,
        %parallel_loop3A_444 = vector.shape_cast %parallel_loop3A_443 : vector<1x1x1x16xf32> to vector<16xf32>
        %parallel_loop3A_445 = vector.shape_cast %parallel_loop3A_436 : vector<16xf32> to vector<1x1x1x16xf32>
        tpu.vector_store %arg10[%parallel_loop3A_439, %parallel_loop3A_440, %parallel_loop3A_441, %parallel_loop3A_442], %parallel_loop3A_445 {strides = array<i32>} : memref<2x3x128x128xf32, #tpu.memory_space<vmem>>, vector<1x1x1x16xf32>,
        %parallel_loop3A_446 = arith.constant 0 : i32
        %parallel_loop3A_447 = arith.constant 0 : i32
        %parallel_loop3A_448 = arith.index_cast %parallel_loop3A_446 : i32 to index
        %parallel_loop3A_449 = arith.index_cast %parallel_loop3A_447 : i32 to index
        %parallel_loop3A_450 = arith.index_cast %parallel_loop3A_337 : i32 to index
        %parallel_loop3A_451 = arith.constant 48 : index
        %parallel_loop3A_452 = tpu.vector_load %arg10[%parallel_loop3A_448, %parallel_loop3A_449, %parallel_loop3A_450, %parallel_loop3A_451] {strides = array<i32>} : memref<2x3x128x128xf32, #tpu.memory_space<vmem>>, vector<1x1x1x16xf32>,
        %parallel_loop3A_453 = vector.shape_cast %parallel_loop3A_452 : vector<1x1x1x16xf32> to vector<16xf32>
        %parallel_loop3A_454 = arith.constant 0 : i32
        %parallel_loop3A_455 = arith.constant 1 : i32
        %parallel_loop3A_456 = arith.index_cast %parallel_loop3A_454 : i32 to index
        %parallel_loop3A_457 = arith.index_cast %parallel_loop3A_455 : i32 to index
        %parallel_loop3A_458 = arith.index_cast %parallel_loop3A_337 : i32 to index
        %parallel_loop3A_459 = arith.constant 48 : index
        %parallel_loop3A_460 = tpu.vector_load %arg10[%parallel_loop3A_456, %parallel_loop3A_457, %parallel_loop3A_458, %parallel_loop3A_459] {strides = array<i32>} : memref<2x3x128x128xf32, #tpu.memory_space<vmem>>, vector<1x1x1x16xf32>,
        %parallel_loop3A_461 = vector.shape_cast %parallel_loop3A_460 : vector<1x1x1x16xf32> to vector<16xf32>
        %parallel_loop3A_462 = arith.addf %parallel_loop3A_453, %parallel_loop3A_461 : vector<16xf32>
        %parallel_loop3A_463 = arith.constant 0 : i32
        %parallel_loop3A_464 = arith.constant 2 : i32
        %parallel_loop3A_465 = arith.index_cast %parallel_loop3A_463 : i32 to index
        %parallel_loop3A_466 = arith.index_cast %parallel_loop3A_464 : i32 to index
        %parallel_loop3A_467 = arith.index_cast %parallel_loop3A_337 : i32 to index
        %parallel_loop3A_468 = arith.constant 48 : index
        %parallel_loop3A_469 = tpu.vector_load %arg10[%parallel_loop3A_465, %parallel_loop3A_466, %parallel_loop3A_467, %parallel_loop3A_468] {strides = array<i32>} : memref<2x3x128x128xf32, #tpu.memory_space<vmem>>, vector<1x1x1x16xf32>,
        %parallel_loop3A_470 = vector.shape_cast %parallel_loop3A_469 : vector<1x1x1x16xf32> to vector<16xf32>
        %parallel_loop3A_471 = arith.addf %parallel_loop3A_462, %parallel_loop3A_470 : vector<16xf32>
        %parallel_loop3A_472 = arith.addf %parallel_loop3A_471, %get3A_25 : vector<16xf32>
        %parallel_loop3A_473 = arith.constant 0 : i32
        %parallel_loop3A_474 = arith.constant 0 : i32
        %parallel_loop3A_475 = arith.index_cast %parallel_loop3A_473 : i32 to index
        %parallel_loop3A_476 = arith.index_cast %parallel_loop3A_474 : i32 to index
        %parallel_loop3A_477 = arith.index_cast %parallel_loop3A_337 : i32 to index
        %parallel_loop3A_478 = arith.constant 48 : index
        %parallel_loop3A_479 = tpu.vector_load %arg10[%parallel_loop3A_475, %parallel_loop3A_476, %parallel_loop3A_477, %parallel_loop3A_478] {strides = array<i32>} : memref<2x3x128x128xf32, #tpu.memory_space<vmem>>, vector<1x1x1x16xf32>,
        %parallel_loop3A_480 = vector.shape_cast %parallel_loop3A_479 : vector<1x1x1x16xf32> to vector<16xf32>
        %parallel_loop3A_481 = vector.shape_cast %parallel_loop3A_472 : vector<16xf32> to vector<1x1x1x16xf32>
        tpu.vector_store %arg10[%parallel_loop3A_475, %parallel_loop3A_476, %parallel_loop3A_477, %parallel_loop3A_478], %parallel_loop3A_481 {strides = array<i32>} : memref<2x3x128x128xf32, #tpu.memory_space<vmem>>, vector<1x1x1x16xf32>,
        %parallel_loop3A_482 = arith.constant 0 : i32
        %parallel_loop3A_483 = arith.constant 0 : i32
        %parallel_loop3A_484 = arith.index_cast %parallel_loop3A_482 : i32 to index
        %parallel_loop3A_485 = arith.index_cast %parallel_loop3A_483 : i32 to index
        %parallel_loop3A_486 = arith.index_cast %parallel_loop3A_337 : i32 to index
        %parallel_loop3A_487 = arith.constant 64 : index
        %parallel_loop3A_488 = tpu.vector_load %arg10[%parallel_loop3A_484, %parallel_loop3A_485, %parallel_loop3A_486, %parallel_loop3A_487] {strides = array<i32>} : memref<2x3x128x128xf32, #tpu.memory_space<vmem>>, vector<1x1x1x16xf32>,
        %parallel_loop3A_489 = vector.shape_cast %parallel_loop3A_488 : vector<1x1x1x16xf32> to vector<16xf32>
        %parallel_loop3A_490 = arith.constant 0 : i32
        %parallel_loop3A_491 = arith.constant 1 : i32
        %parallel_loop3A_492 = arith.index_cast %parallel_loop3A_490 : i32 to index
        %parallel_loop3A_493 = arith.index_cast %parallel_loop3A_491 : i32 to index
        %parallel_loop3A_494 = arith.index_cast %parallel_loop3A_337 : i32 to index
        %parallel_loop3A_495 = arith.constant 64 : index
        %parallel_loop3A_496 = tpu.vector_load %arg10[%parallel_loop3A_492, %parallel_loop3A_493, %parallel_loop3A_494, %parallel_loop3A_495] {strides = array<i32>} : memref<2x3x128x128xf32, #tpu.memory_space<vmem>>, vector<1x1x1x16xf32>,
        %parallel_loop3A_497 = vector.shape_cast %parallel_loop3A_496 : vector<1x1x1x16xf32> to vector<16xf32>
        %parallel_loop3A_498 = arith.addf %parallel_loop3A_489, %parallel_loop3A_497 : vector<16xf32>
        %parallel_loop3A_499 = arith.constant 0 : i32
        %parallel_loop3A_500 = arith.constant 2 : i32
        %parallel_loop3A_501 = arith.index_cast %parallel_loop3A_499 : i32 to index
        %parallel_loop3A_502 = arith.index_cast %parallel_loop3A_500 : i32 to index
        %parallel_loop3A_503 = arith.index_cast %parallel_loop3A_337 : i32 to index
        %parallel_loop3A_504 = arith.constant 64 : index
        %parallel_loop3A_505 = tpu.vector_load %arg10[%parallel_loop3A_501, %parallel_loop3A_502, %parallel_loop3A_503, %parallel_loop3A_504] {strides = array<i32>} : memref<2x3x128x128xf32, #tpu.memory_space<vmem>>, vector<1x1x1x16xf32>,
        %parallel_loop3A_506 = vector.shape_cast %parallel_loop3A_505 : vector<1x1x1x16xf32> to vector<16xf32>
        %parallel_loop3A_507 = arith.addf %parallel_loop3A_498, %parallel_loop3A_506 : vector<16xf32>
        %parallel_loop3A_508 = arith.addf %parallel_loop3A_507, %get3A_30 : vector<16xf32>
        %parallel_loop3A_509 = arith.constant 0 : i32
        %parallel_loop3A_510 = arith.constant 0 : i32
        %parallel_loop3A_511 = arith.index_cast %parallel_loop3A_509 : i32 to index
        %parallel_loop3A_512 = arith.index_cast %parallel_loop3A_510 : i32 to index
        %parallel_loop3A_513 = arith.index_cast %parallel_loop3A_337 : i32 to index
        %parallel_loop3A_514 = arith.constant 64 : index
        %parallel_loop3A_515 = tpu.vector_load %arg10[%parallel_loop3A_511, %parallel_loop3A_512, %parallel_loop3A_513, %parallel_loop3A_514] {strides = array<i32>} : memref<2x3x128x128xf32, #tpu.memory_space<vmem>>, vector<1x1x1x16xf32>,
        %parallel_loop3A_516 = vector.shape_cast %parallel_loop3A_515 : vector<1x1x1x16xf32> to vector<16xf32>
        %parallel_loop3A_517 = vector.shape_cast %parallel_loop3A_508 : vector<16xf32> to vector<1x1x1x16xf32>
        tpu.vector_store %arg10[%parallel_loop3A_511, %parallel_loop3A_512, %parallel_loop3A_513, %parallel_loop3A_514], %parallel_loop3A_517 {strides = array<i32>} : memref<2x3x128x128xf32, #tpu.memory_space<vmem>>, vector<1x1x1x16xf32>,
        %parallel_loop3A_518 = arith.constant 0 : i32
        %parallel_loop3A_519 = arith.constant 0 : i32
        %parallel_loop3A_520 = arith.index_cast %parallel_loop3A_518 : i32 to index
        %parallel_loop3A_521 = arith.index_cast %parallel_loop3A_519 : i32 to index
        %parallel_loop3A_522 = arith.index_cast %parallel_loop3A_337 : i32 to index
        %parallel_loop3A_523 = arith.constant 80 : index
        %parallel_loop3A_524 = tpu.vector_load %arg10[%parallel_loop3A_520, %parallel_loop3A_521, %parallel_loop3A_522, %parallel_loop3A_523] {strides = array<i32>} : memref<2x3x128x128xf32, #tpu.memory_space<vmem>>, vector<1x1x1x16xf32>,
        %parallel_loop3A_525 = vector.shape_cast %parallel_loop3A_524 : vector<1x1x1x16xf32> to vector<16xf32>
        %parallel_loop3A_526 = arith.constant 0 : i32
        %parallel_loop3A_527 = arith.constant 1 : i32
        %parallel_loop3A_528 = arith.index_cast %parallel_loop3A_526 : i32 to index
        %parallel_loop3A_529 = arith.index_cast %parallel_loop3A_527 : i32 to index
        %parallel_loop3A_530 = arith.index_cast %parallel_loop3A_337 : i32 to index
        %parallel_loop3A_531 = arith.constant 80 : index
        %parallel_loop3A_532 = tpu.vector_load %arg10[%parallel_loop3A_528, %parallel_loop3A_529, %parallel_loop3A_530, %parallel_loop3A_531] {strides = array<i32>} : memref<2x3x128x128xf32, #tpu.memory_space<vmem>>, vector<1x1x1x16xf32>,
        %parallel_loop3A_533 = vector.shape_cast %parallel_loop3A_532 : vector<1x1x1x16xf32> to vector<16xf32>
        %parallel_loop3A_534 = arith.addf %parallel_loop3A_525, %parallel_loop3A_533 : vector<16xf32>
        %parallel_loop3A_535 = arith.constant 0 : i32
        %parallel_loop3A_536 = arith.constant 2 : i32
        %parallel_loop3A_537 = arith.index_cast %parallel_loop3A_535 : i32 to index
        %parallel_loop3A_538 = arith.index_cast %parallel_loop3A_536 : i32 to index
        %parallel_loop3A_539 = arith.index_cast %parallel_loop3A_337 : i32 to index
        %parallel_loop3A_540 = arith.constant 80 : index
        %parallel_loop3A_541 = tpu.vector_load %arg10[%parallel_loop3A_537, %parallel_loop3A_538, %parallel_loop3A_539, %parallel_loop3A_540] {strides = array<i32>} : memref<2x3x128x128xf32, #tpu.memory_space<vmem>>, vector<1x1x1x16xf32>,
        %parallel_loop3A_542 = vector.shape_cast %parallel_loop3A_541 : vector<1x1x1x16xf32> to vector<16xf32>
        %parallel_loop3A_543 = arith.addf %parallel_loop3A_534, %parallel_loop3A_542 : vector<16xf32>
        %parallel_loop3A_544 = arith.addf %parallel_loop3A_543, %get3A_35 : vector<16xf32>
        %parallel_loop3A_545 = arith.constant 0 : i32
        %parallel_loop3A_546 = arith.constant 0 : i32
        %parallel_loop3A_547 = arith.index_cast %parallel_loop3A_545 : i32 to index
        %parallel_loop3A_548 = arith.index_cast %parallel_loop3A_546 : i32 to index
        %parallel_loop3A_549 = arith.index_cast %parallel_loop3A_337 : i32 to index
        %parallel_loop3A_550 = arith.constant 80 : index
        %parallel_loop3A_551 = tpu.vector_load %arg10[%parallel_loop3A_547, %parallel_loop3A_548, %parallel_loop3A_549, %parallel_loop3A_550] {strides = array<i32>} : memref<2x3x128x128xf32, #tpu.memory_space<vmem>>, vector<1x1x1x16xf32>,
        %parallel_loop3A_552 = vector.shape_cast %parallel_loop3A_551 : vector<1x1x1x16xf32> to vector<16xf32>
        %parallel_loop3A_553 = vector.shape_cast %parallel_loop3A_544 : vector<16xf32> to vector<1x1x1x16xf32>
        tpu.vector_store %arg10[%parallel_loop3A_547, %parallel_loop3A_548, %parallel_loop3A_549, %parallel_loop3A_550], %parallel_loop3A_553 {strides = array<i32>} : memref<2x3x128x128xf32, #tpu.memory_space<vmem>>, vector<1x1x1x16xf32>,
        %parallel_loop3A_554 = arith.constant 0 : i32
        %parallel_loop3A_555 = arith.constant 0 : i32
        %parallel_loop3A_556 = arith.index_cast %parallel_loop3A_554 : i32 to index
        %parallel_loop3A_557 = arith.index_cast %parallel_loop3A_555 : i32 to index
        %parallel_loop3A_558 = arith.index_cast %parallel_loop3A_337 : i32 to index
        %parallel_loop3A_559 = arith.constant 96 : index
        %parallel_loop3A_560 = tpu.vector_load %arg10[%parallel_loop3A_556, %parallel_loop3A_557, %parallel_loop3A_558, %parallel_loop3A_559] {strides = array<i32>} : memref<2x3x128x128xf32, #tpu.memory_space<vmem>>, vector<1x1x1x16xf32>,
        %parallel_loop3A_561 = vector.shape_cast %parallel_loop3A_560 : vector<1x1x1x16xf32> to vector<16xf32>
        %parallel_loop3A_562 = arith.constant 0 : i32
        %parallel_loop3A_563 = arith.constant 1 : i32
        %parallel_loop3A_564 = arith.index_cast %parallel_loop3A_562 : i32 to index
        %parallel_loop3A_565 = arith.index_cast %parallel_loop3A_563 : i32 to index
        %parallel_loop3A_566 = arith.index_cast %parallel_loop3A_337 : i32 to index
        %parallel_loop3A_567 = arith.constant 96 : index
        %parallel_loop3A_568 = tpu.vector_load %arg10[%parallel_loop3A_564, %parallel_loop3A_565, %parallel_loop3A_566, %parallel_loop3A_567] {strides = array<i32>} : memref<2x3x128x128xf32, #tpu.memory_space<vmem>>, vector<1x1x1x16xf32>,
        %parallel_loop3A_569 = vector.shape_cast %parallel_loop3A_568 : vector<1x1x1x16xf32> to vector<16xf32>
        %parallel_loop3A_570 = arith.addf %parallel_loop3A_561, %parallel_loop3A_569 : vector<16xf32>
        %parallel_loop3A_571 = arith.constant 0 : i32
        %parallel_loop3A_572 = arith.constant 2 : i32
        %parallel_loop3A_573 = arith.index_cast %parallel_loop3A_571 : i32 to index
        %parallel_loop3A_574 = arith.index_cast %parallel_loop3A_572 : i32 to index
        %parallel_loop3A_575 = arith.index_cast %parallel_loop3A_337 : i32 to index
        %parallel_loop3A_576 = arith.constant 96 : index
        %parallel_loop3A_577 = tpu.vector_load %arg10[%parallel_loop3A_573, %parallel_loop3A_574, %parallel_loop3A_575, %parallel_loop3A_576] {strides = array<i32>} : memref<2x3x128x128xf32, #tpu.memory_space<vmem>>, vector<1x1x1x16xf32>,
        %parallel_loop3A_578 = vector.shape_cast %parallel_loop3A_577 : vector<1x1x1x16xf32> to vector<16xf32>
        %parallel_loop3A_579 = arith.addf %parallel_loop3A_570, %parallel_loop3A_578 : vector<16xf32>
        %parallel_loop3A_580 = arith.addf %parallel_loop3A_579, %get3A_40 : vector<16xf32>
        %parallel_loop3A_581 = arith.constant 0 : i32
        %parallel_loop3A_582 = arith.constant 0 : i32
        %parallel_loop3A_583 = arith.index_cast %parallel_loop3A_581 : i32 to index
        %parallel_loop3A_584 = arith.index_cast %parallel_loop3A_582 : i32 to index
        %parallel_loop3A_585 = arith.index_cast %parallel_loop3A_337 : i32 to index
        %parallel_loop3A_586 = arith.constant 96 : index
        %parallel_loop3A_587 = tpu.vector_load %arg10[%parallel_loop3A_583, %parallel_loop3A_584, %parallel_loop3A_585, %parallel_loop3A_586] {strides = array<i32>} : memref<2x3x128x128xf32, #tpu.memory_space<vmem>>, vector<1x1x1x16xf32>,
        %parallel_loop3A_588 = vector.shape_cast %parallel_loop3A_587 : vector<1x1x1x16xf32> to vector<16xf32>
        %parallel_loop3A_589 = vector.shape_cast %parallel_loop3A_580 : vector<16xf32> to vector<1x1x1x16xf32>
        tpu.vector_store %arg10[%parallel_loop3A_583, %parallel_loop3A_584, %parallel_loop3A_585, %parallel_loop3A_586], %parallel_loop3A_589 {strides = array<i32>} : memref<2x3x128x128xf32, #tpu.memory_space<vmem>>, vector<1x1x1x16xf32>,
        %parallel_loop3A_590 = arith.constant 0 : i32
        %parallel_loop3A_591 = arith.constant 0 : i32
        %parallel_loop3A_592 = arith.index_cast %parallel_loop3A_590 : i32 to index
        %parallel_loop3A_593 = arith.index_cast %parallel_loop3A_591 : i32 to index
        %parallel_loop3A_594 = arith.index_cast %parallel_loop3A_337 : i32 to index
        %parallel_loop3A_595 = arith.constant 112 : index
        %parallel_loop3A_596 = tpu.vector_load %arg10[%parallel_loop3A_592, %parallel_loop3A_593, %parallel_loop3A_594, %parallel_loop3A_595] {strides = array<i32>} : memref<2x3x128x128xf32, #tpu.memory_space<vmem>>, vector<1x1x1x16xf32>,
        %parallel_loop3A_597 = vector.shape_cast %parallel_loop3A_596 : vector<1x1x1x16xf32> to vector<16xf32>
        %parallel_loop3A_598 = arith.constant 0 : i32
        %parallel_loop3A_599 = arith.constant 1 : i32
        %parallel_loop3A_600 = arith.index_cast %parallel_loop3A_598 : i32 to index
        %parallel_loop3A_601 = arith.index_cast %parallel_loop3A_599 : i32 to index
        %parallel_loop3A_602 = arith.index_cast %parallel_loop3A_337 : i32 to index
        %parallel_loop3A_603 = arith.constant 112 : index
        %parallel_loop3A_604 = tpu.vector_load %arg10[%parallel_loop3A_600, %parallel_loop3A_601, %parallel_loop3A_602, %parallel_loop3A_603] {strides = array<i32>} : memref<2x3x128x128xf32, #tpu.memory_space<vmem>>, vector<1x1x1x16xf32>,
        %parallel_loop3A_605 = vector.shape_cast %parallel_loop3A_604 : vector<1x1x1x16xf32> to vector<16xf32>
        %parallel_loop3A_606 = arith.addf %parallel_loop3A_597, %parallel_loop3A_605 : vector<16xf32>
        %parallel_loop3A_607 = arith.constant 0 : i32
        %parallel_loop3A_608 = arith.constant 2 : i32
        %parallel_loop3A_609 = arith.index_cast %parallel_loop3A_607 : i32 to index
        %parallel_loop3A_610 = arith.index_cast %parallel_loop3A_608 : i32 to index
        %parallel_loop3A_611 = arith.index_cast %parallel_loop3A_337 : i32 to index
        %parallel_loop3A_612 = arith.constant 112 : index
        %parallel_loop3A_613 = tpu.vector_load %arg10[%parallel_loop3A_609, %parallel_loop3A_610, %parallel_loop3A_611, %parallel_loop3A_612] {strides = array<i32>} : memref<2x3x128x128xf32, #tpu.memory_space<vmem>>, vector<1x1x1x16xf32>,
        %parallel_loop3A_614 = vector.shape_cast %parallel_loop3A_613 : vector<1x1x1x16xf32> to vector<16xf32>
        %parallel_loop3A_615 = arith.addf %parallel_loop3A_606, %parallel_loop3A_614 : vector<16xf32>
        %parallel_loop3A_616 = arith.addf %parallel_loop3A_615, %get3A_45 : vector<16xf32>
        %parallel_loop3A_617 = arith.constant 0 : i32
        %parallel_loop3A_618 = arith.constant 0 : i32
        %parallel_loop3A_619 = arith.index_cast %parallel_loop3A_617 : i32 to index
        %parallel_loop3A_620 = arith.index_cast %parallel_loop3A_618 : i32 to index
        %parallel_loop3A_621 = arith.index_cast %parallel_loop3A_337 : i32 to index
        %parallel_loop3A_622 = arith.constant 112 : index
        %parallel_loop3A_623 = tpu.vector_load %arg10[%parallel_loop3A_619, %parallel_loop3A_620, %parallel_loop3A_621, %parallel_loop3A_622] {strides = array<i32>} : memref<2x3x128x128xf32, #tpu.memory_space<vmem>>, vector<1x1x1x16xf32>,
        %parallel_loop3A_624 = vector.shape_cast %parallel_loop3A_623 : vector<1x1x1x16xf32> to vector<16xf32>
        %parallel_loop3A_625 = vector.shape_cast %parallel_loop3A_616 : vector<16xf32> to vector<1x1x1x16xf32>
        tpu.vector_store %arg10[%parallel_loop3A_619, %parallel_loop3A_620, %parallel_loop3A_621, %parallel_loop3A_622], %parallel_loop3A_625 {strides = array<i32>} : memref<2x3x128x128xf32, #tpu.memory_space<vmem>>, vector<1x1x1x16xf32>,
      } {sc.loop_unroll_factor = 4 : i64, sc.parallel_access}
      %mul3A_227 = arith.constant 128 : i32
      %mul3A_228 = arith.muli %add3A_160, %mul3A_227 : i32
      %add3A_229 = arith.addi %mul3A_2, %mul3A_228 : i32
      %dma_start3A_230 = arith.constant 0 : i32
      %dma_start3A_231 = arith.constant 0 : i32
      %dma_start3A_232 = arith.constant 0 : i32
      %dma_start3A_233 = arith.constant 0 : i32
      %dma_start3A_234 = tpu.memref_slice %arg10[%dma_start3A_230, %dma_start3A_231, %dma_start3A_232, %dma_start3A_233] : memref<2x3x128x128xf32, #tpu.memory_space<vmem>> -> memref<1x1x128x128xf32, #tpu.memory_space<vmem>>
      %dma_start3A_235 = tpu.memref_squeeze %dma_start3A_234 : memref<1x1x128x128xf32, #tpu.memory_space<vmem>> -> memref<128x128xf32, #tpu.memory_space<vmem>>
      %dma_start3A_236 = arith.constant 0 : i32
      %dma_start3A_237 = tpu.memref_slice %arg8[%add3A_229, %dma_start3A_236] : memref<819200x128xf32, #tpu.memory_space<hbm>> -> memref<128x128xf32, #tpu.memory_space<hbm>>
      %dma_start3A_238 = arith.constant 0 : i32
      %dma_start3A_239 = tpu.memref_slice %arg8[%add3A_229, %dma_start3A_238] : memref<819200x128xf32, #tpu.memory_space<hbm>> -> memref<128x128xf32, #tpu.memory_space<hbm>>
      %dma_start3A_240 = arith.constant 0 : i32
      %dma_start3A_241 = arith.constant 0 : i32
      %dma_start3A_242 = tpu.memref_slice %arg10[%dma_start3A_230, %dma_start3A_231, %dma_start3A_240, %dma_start3A_241] : memref<2x3x128x128xf32, #tpu.memory_space<vmem>> -> memref<1x1x128x128xf32, #tpu.memory_space<vmem>>
      %dma_start3A_243 = tpu.memref_squeeze %dma_start3A_242 : memref<1x1x128x128xf32, #tpu.memory_space<vmem>> -> memref<128x128xf32, #tpu.memory_space<vmem>>
      tpu.enqueue_dma source(%dma_start3A_243 : memref<128x128xf32, #tpu.memory_space<vmem>>) target(%dma_start3A_239 : memref<128x128xf32, #tpu.memory_space<hbm>>) target_semaphore(%arg17 : memref<!tpu.dma_semaphore, #tpu.memory_space<semaphore_mem>>)
      %mul3A_244 = arith.constant 2 : i32
      %mul3A_245 = arith.muli %mul3A_244, %scan3A_155 : i32
      %add3A_246 = arith.constant 1 : i32
      %add3A_247 = arith.addi %mul3A_245, %add3A_246 : i32
      %add3A_248 = arith.constant 1 : i32
      %add3A_249 = arith.addi %add3A_247, %add3A_248 : i32
      %lt3A_250 = arith.constant 200 : i32
      %lt3A_251 = arith.cmpi slt, %add3A_249, %lt3A_250 : i32
      %convert_element_type3A_252 = arith.extui %lt3A_251 : i1 to i32
      %cond3A_253 = arith.constant 0 : i32
      %cond3A_254 = arith.cmpi ne, %convert_element_type3A_252, %cond3A_253 : i32
      scf.if %cond3A_254 {
        %add3A_337 = arith.constant 1 : i32
        %add3A_338 = arith.addi %add3A_247, %add3A_337 : i32
        %mul3A_339 = arith.constant 128 : i32
        %mul3A_340 = arith.muli %add3A_338, %mul3A_339 : i32
        %add3A_341 = arith.addi %mul3A_2, %mul3A_340 : i32
        %dma_wait3A_342 = arith.constant 0 : i32
        %dma_wait3A_343 = arith.constant 0 : i32
        %dma_wait3A_344 = arith.constant 0 : i32
        %dma_wait3A_345 = tpu.memref_slice %arg9[%dma_wait3A_342, %dma_wait3A_343, %dma_wait3A_344] : memref<2x3x128xi32, #tpu.memory_space<vmem>> -> memref<1x3x128xi32, #tpu.memory_space<vmem>>
        %dma_wait3A_346 = tpu.memref_squeeze %dma_wait3A_345 : memref<1x3x128xi32, #tpu.memory_space<vmem>> -> memref<3x128xi32, #tpu.memory_space<vmem>>
        %dma_wait3A_347 = arith.constant 0 : i32
        %dma_wait3A_348 = tpu.memref_slice %arg2[%dma_wait3A_347, %add3A_341] : memref<3x819200xi32, #tpu.memory_space<hbm>> -> memref<3x128xi32, #tpu.memory_space<hbm>>
        %dma_wait3A_349 = arith.constant 0 : i32
        %dma_wait3A_350 = arith.constant 0 : i32
        %dma_wait3A_351 = tpu.memref_slice %arg9[%dma_wait3A_342, %dma_wait3A_349, %dma_wait3A_350] : memref<2x3x128xi32, #tpu.memory_space<vmem>> -> memref<1x3x128xi32, #tpu.memory_space<vmem>>
        %dma_wait3A_352 = tpu.memref_squeeze %dma_wait3A_351 : memref<1x3x128xi32, #tpu.memory_space<vmem>> -> memref<3x128xi32, #tpu.memory_space<vmem>>
        %dma_wait3A_353 = arith.constant 0 : i32
        %dma_wait3A_354 = tpu.memref_slice %arg2[%dma_wait3A_353, %add3A_341] : memref<3x819200xi32, #tpu.memory_space<hbm>> -> memref<3x128xi32, #tpu.memory_space<hbm>>
        tpu.wait_dma2 semaphore(%arg13 : memref<!tpu.dma_semaphore, #tpu.memory_space<semaphore_mem>>) src(%dma_wait3A_354 : memref<3x128xi32, #tpu.memory_space<hbm>>) dst(%dma_wait3A_352 : memref<3x128xi32, #tpu.memory_space<vmem>>)
        %dma_start3A_355 = arith.constant 0 : i32
        %dma_start3A_356 = arith.constant 1 : i32
        %dma_start3A_357 = arith.constant 0 : i32
        %dma_start3A_358 = arith.constant 1 : i32
        %dma_start3A_359 = arith.constant 0 : i32
        %dma_start3A_360 = arith.constant 0 : i32
        %dma_start3A_361 = tpu.memref_slice %arg10[%dma_start3A_357, %dma_start3A_358, %dma_start3A_359, %dma_start3A_360] : memref<2x3x128x128xf32, #tpu.memory_space<vmem>> -> memref<1x1x128x128xf32, #tpu.memory_space<vmem>>
        %dma_start3A_362 = tpu.memref_squeeze %dma_start3A_361 : memref<1x1x128x128xf32, #tpu.memory_space<vmem>> -> memref<128x128xf32, #tpu.memory_space<vmem>>
        %dma_start3A_363 = arith.constant 0 : i32
        %dma_start3A_364 = tpu.memref_slice %arg9[%dma_start3A_355, %dma_start3A_356, %dma_start3A_363] : memref<2x3x128xi32, #tpu.memory_space<vmem>> -> memref<1x1x128xi32, #tpu.memory_space<vmem>>
        %dma_start3A_365 = tpu.memref_squeeze %dma_start3A_364 : memref<1x1x128xi32, #tpu.memory_space<vmem>> -> memref<128xi32, #tpu.memory_space<vmem>>
        %dma_start3A_366 = arith.constant 0 : i32
        %dma_start3A_367 = arith.constant 0 : i32
        %dma_start3A_368 = tpu.memref_slice %arg5[%dma_start3A_366, %dma_start3A_367] : memref<1024x128xf32, #tpu.memory_space<hbm>> -> memref<1024x128xf32, #tpu.memory_space<hbm>>
        tpu.enqueue_indirect_dma source(%dma_start3A_368 : memref<1024x128xf32, #tpu.memory_space<hbm>>) target(%dma_start3A_362 : memref<128x128xf32, #tpu.memory_space<vmem>>) offsets(%dma_start3A_365 : memref<128xi32, #tpu.memory_space<vmem>>) semaphore(%arg15 : memref<!tpu.dma_semaphore, #tpu.memory_space<semaphore_mem>>)
        %dma_start3A_369 = arith.constant 0 : i32
        %dma_start3A_370 = arith.constant 2 : i32
        %dma_start3A_371 = arith.constant 0 : i32
        %dma_start3A_372 = arith.constant 2 : i32
        %dma_start3A_373 = arith.constant 0 : i32
        %dma_start3A_374 = arith.constant 0 : i32
        %dma_start3A_375 = tpu.memref_slice %arg10[%dma_start3A_371, %dma_start3A_372, %dma_start3A_373, %dma_start3A_374] : memref<2x3x128x128xf32, #tpu.memory_space<vmem>> -> memref<1x1x128x128xf32, #tpu.memory_space<vmem>>
        %dma_start3A_376 = tpu.memref_squeeze %dma_start3A_375 : memref<1x1x128x128xf32, #tpu.memory_space<vmem>> -> memref<128x128xf32, #tpu.memory_space<vmem>>
        %dma_start3A_377 = arith.constant 0 : i32
        %dma_start3A_378 = tpu.memref_slice %arg9[%dma_start3A_369, %dma_start3A_370, %dma_start3A_377] : memref<2x3x128xi32, #tpu.memory_space<vmem>> -> memref<1x1x128xi32, #tpu.memory_space<vmem>>
        %dma_start3A_379 = tpu.memref_squeeze %dma_start3A_378 : memref<1x1x128xi32, #tpu.memory_space<vmem>> -> memref<128xi32, #tpu.memory_space<vmem>>
        %dma_start3A_380 = arith.constant 0 : i32
        %dma_start3A_381 = arith.constant 0 : i32
        %dma_start3A_382 = tpu.memref_slice %arg6[%dma_start3A_380, %dma_start3A_381] : memref<1024x128xf32, #tpu.memory_space<hbm>> -> memref<1024x128xf32, #tpu.memory_space<hbm>>
        tpu.enqueue_indirect_dma source(%dma_start3A_382 : memref<1024x128xf32, #tpu.memory_space<hbm>>) target(%dma_start3A_376 : memref<128x128xf32, #tpu.memory_space<vmem>>) offsets(%dma_start3A_379 : memref<128xi32, #tpu.memory_space<vmem>>) semaphore(%arg15 : memref<!tpu.dma_semaphore, #tpu.memory_space<semaphore_mem>>)
      } else {
      }
      %gt3A_255 = arith.constant 0 : i32
      %gt3A_256 = arith.cmpi sgt, %add3A_247, %gt3A_255 : i32
      %convert_element_type3A_257 = arith.extui %gt3A_256 : i1 to i32
      %cond3A_258 = arith.constant 0 : i32
      %cond3A_259 = arith.cmpi ne, %convert_element_type3A_257, %cond3A_258 : i32
      scf.if %cond3A_259 {
        %mul3A_337 = arith.constant 128 : i32
        %mul3A_338 = arith.muli %add3A_247, %mul3A_337 : i32
        %add3A_339 = arith.addi %mul3A_2, %mul3A_338 : i32
        %dma_wait3A_340 = arith.constant 0 : i32
        %dma_wait3A_341 = arith.constant 0 : i32
        %dma_wait3A_342 = arith.constant 0 : i32
        %dma_wait3A_343 = arith.constant 0 : i32
        %dma_wait3A_344 = tpu.memref_slice %arg10[%dma_wait3A_340, %dma_wait3A_341, %dma_wait3A_342, %dma_wait3A_343] : memref<2x3x128x128xf32, #tpu.memory_space<vmem>> -> memref<1x1x128x128xf32, #tpu.memory_space<vmem>>
        %dma_wait3A_345 = tpu.memref_squeeze %dma_wait3A_344 : memref<1x1x128x128xf32, #tpu.memory_space<vmem>> -> memref<128x128xf32, #tpu.memory_space<vmem>>
        %dma_wait3A_346 = arith.constant 0 : i32
        %dma_wait3A_347 = tpu.memref_slice %arg8[%add3A_339, %dma_wait3A_346] : memref<819200x128xf32, #tpu.memory_space<hbm>> -> memref<128x128xf32, #tpu.memory_space<hbm>>
        %dma_wait3A_348 = arith.constant 0 : i32
        %dma_wait3A_349 = tpu.memref_slice %arg8[%add3A_339, %dma_wait3A_348] : memref<819200x128xf32, #tpu.memory_space<hbm>> -> memref<128x128xf32, #tpu.memory_space<hbm>>
        %dma_wait3A_350 = arith.constant 0 : i32
        %dma_wait3A_351 = arith.constant 0 : i32
        %dma_wait3A_352 = tpu.memref_slice %arg10[%dma_wait3A_340, %dma_wait3A_341, %dma_wait3A_350, %dma_wait3A_351] : memref<2x3x128x128xf32, #tpu.memory_space<vmem>> -> memref<1x1x128x128xf32, #tpu.memory_space<vmem>>
        %dma_wait3A_353 = tpu.memref_squeeze %dma_wait3A_352 : memref<1x1x128x128xf32, #tpu.memory_space<vmem>> -> memref<128x128xf32, #tpu.memory_space<vmem>>
        tpu.wait_dma2 semaphore(%arg17 : memref<!tpu.dma_semaphore, #tpu.memory_space<semaphore_mem>>) src(%dma_wait3A_353 : memref<128x128xf32, #tpu.memory_space<vmem>>) dst(%dma_wait3A_349 : memref<128x128xf32, #tpu.memory_space<hbm>>)
      } else {
      }
      %add3A_260 = arith.constant 1 : i32
      %add3A_261 = arith.addi %add3A_247, %add3A_260 : i32
      %lt3A_262 = arith.constant 200 : i32
      %lt3A_263 = arith.cmpi slt, %add3A_261, %lt3A_262 : i32
      %convert_element_type3A_264 = arith.extui %lt3A_263 : i1 to i32
      %cond3A_265 = arith.constant 0 : i32
      %cond3A_266 = arith.cmpi ne, %convert_element_type3A_264, %cond3A_265 : i32
      scf.if %cond3A_266 {
        %dma_start3A_337 = arith.constant 0 : i32
        %dma_start3A_338 = arith.constant 0 : i32
        %dma_start3A_339 = arith.constant 0 : i32
        %dma_start3A_340 = arith.constant 0 : i32
        %dma_start3A_341 = arith.constant 0 : i32
        %dma_start3A_342 = arith.constant 0 : i32
        %dma_start3A_343 = tpu.memref_slice %arg10[%dma_start3A_339, %dma_start3A_340, %dma_start3A_341, %dma_start3A_342] : memref<2x3x128x128xf32, #tpu.memory_space<vmem>> -> memref<1x1x128x128xf32, #tpu.memory_space<vmem>>
        %dma_start3A_344 = tpu.memref_squeeze %dma_start3A_343 : memref<1x1x128x128xf32, #tpu.memory_space<vmem>> -> memref<128x128xf32, #tpu.memory_space<vmem>>
        %dma_start3A_345 = arith.constant 0 : i32
        %dma_start3A_346 = tpu.memref_slice %arg9[%dma_start3A_337, %dma_start3A_338, %dma_start3A_345] : memref<2x3x128xi32, #tpu.memory_space<vmem>> -> memref<1x1x128xi32, #tpu.memory_space<vmem>>
        %dma_start3A_347 = tpu.memref_squeeze %dma_start3A_346 : memref<1x1x128xi32, #tpu.memory_space<vmem>> -> memref<128xi32, #tpu.memory_space<vmem>>
        %dma_start3A_348 = arith.constant 0 : i32
        %dma_start3A_349 = arith.constant 0 : i32
        %dma_start3A_350 = tpu.memref_slice %arg4[%dma_start3A_348, %dma_start3A_349] : memref<1024x128xf32, #tpu.memory_space<hbm>> -> memref<1024x128xf32, #tpu.memory_space<hbm>>
        tpu.enqueue_indirect_dma source(%dma_start3A_350 : memref<1024x128xf32, #tpu.memory_space<hbm>>) target(%dma_start3A_344 : memref<128x128xf32, #tpu.memory_space<vmem>>) offsets(%dma_start3A_347 : memref<128xi32, #tpu.memory_space<vmem>>) semaphore(%arg15 : memref<!tpu.dma_semaphore, #tpu.memory_space<semaphore_mem>>)
      } else {
      }
      %dma_wait3A_267 = arith.constant 1 : i32
      %dma_wait3A_268 = arith.constant 0 : i32
      %dma_wait3A_269 = arith.constant 1 : i32
      %dma_wait3A_270 = arith.constant 0 : i32
      %dma_wait3A_271 = arith.constant 0 : i32
      %dma_wait3A_272 = arith.constant 0 : i32
      %dma_wait3A_273 = tpu.memref_slice %arg10[%dma_wait3A_269, %dma_wait3A_270, %dma_wait3A_271, %dma_wait3A_272] : memref<2x3x128x128xf32, #tpu.memory_space<vmem>> -> memref<1x1x128x128xf32, #tpu.memory_space<vmem>>
      %dma_wait3A_274 = tpu.memref_squeeze %dma_wait3A_273 : memref<1x1x128x128xf32, #tpu.memory_space<vmem>> -> memref<128x128xf32, #tpu.memory_space<vmem>>
      %dma_wait3A_275 = arith.constant 0 : i32
      %dma_wait3A_276 = tpu.memref_slice %arg9[%dma_wait3A_267, %dma_wait3A_268, %dma_wait3A_275] : memref<2x3x128xi32, #tpu.memory_space<vmem>> -> memref<1x1x128xi32, #tpu.memory_space<vmem>>
      %dma_wait3A_277 = tpu.memref_squeeze %dma_wait3A_276 : memref<1x1x128xi32, #tpu.memory_space<vmem>> -> memref<128xi32, #tpu.memory_space<vmem>>
      %dma_wait3A_278 = arith.constant 0 : i32
      %dma_wait3A_279 = arith.constant 0 : i32
      %dma_wait3A_280 = tpu.memref_slice %arg4[%dma_wait3A_278, %dma_wait3A_279] : memref<1024x128xf32, #tpu.memory_space<hbm>> -> memref<1024x128xf32, #tpu.memory_space<hbm>>
      tpu.wait_indirect_dma semaphore(%arg16 : memref<!tpu.dma_semaphore, #tpu.memory_space<semaphore_mem>>) src(%dma_wait3A_280 : memref<1024x128xf32, #tpu.memory_space<hbm>>) dst(%dma_wait3A_274 : memref<128x128xf32, #tpu.memory_space<vmem>>)
      %dma_wait3A_281 = arith.constant 1 : i32
      %dma_wait3A_282 = arith.constant 1 : i32
      %dma_wait3A_283 = arith.constant 1 : i32
      %dma_wait3A_284 = arith.constant 1 : i32
      %dma_wait3A_285 = arith.constant 0 : i32
      %dma_wait3A_286 = arith.constant 0 : i32
      %dma_wait3A_287 = tpu.memref_slice %arg10[%dma_wait3A_283, %dma_wait3A_284, %dma_wait3A_285, %dma_wait3A_286] : memref<2x3x128x128xf32, #tpu.memory_space<vmem>> -> memref<1x1x128x128xf32, #tpu.memory_space<vmem>>
      %dma_wait3A_288 = tpu.memref_squeeze %dma_wait3A_287 : memref<1x1x128x128xf32, #tpu.memory_space<vmem>> -> memref<128x128xf32, #tpu.memory_space<vmem>>
      %dma_wait3A_289 = arith.constant 0 : i32
      %dma_wait3A_290 = tpu.memref_slice %arg9[%dma_wait3A_281, %dma_wait3A_282, %dma_wait3A_289] : memref<2x3x128xi32, #tpu.memory_space<vmem>> -> memref<1x1x128xi32, #tpu.memory_space<vmem>>
      %dma_wait3A_291 = tpu.memref_squeeze %dma_wait3A_290 : memref<1x1x128xi32, #tpu.memory_space<vmem>> -> memref<128xi32, #tpu.memory_space<vmem>>
      %dma_wait3A_292 = arith.constant 0 : i32
      %dma_wait3A_293 = arith.constant 0 : i32
      %dma_wait3A_294 = tpu.memref_slice %arg5[%dma_wait3A_292, %dma_wait3A_293] : memref<1024x128xf32, #tpu.memory_space<hbm>> -> memref<1024x128xf32, #tpu.memory_space<hbm>>
      tpu.wait_indirect_dma semaphore(%arg16 : memref<!tpu.dma_semaphore, #tpu.memory_space<semaphore_mem>>) src(%dma_wait3A_294 : memref<1024x128xf32, #tpu.memory_space<hbm>>) dst(%dma_wait3A_288 : memref<128x128xf32, #tpu.memory_space<vmem>>)
      %dma_wait3A_295 = arith.constant 1 : i32
      %dma_wait3A_296 = arith.constant 2 : i32
      %dma_wait3A_297 = arith.constant 1 : i32
      %dma_wait3A_298 = arith.constant 2 : i32
      %dma_wait3A_299 = arith.constant 0 : i32
      %dma_wait3A_300 = arith.constant 0 : i32
      %dma_wait3A_301 = tpu.memref_slice %arg10[%dma_wait3A_297, %dma_wait3A_298, %dma_wait3A_299, %dma_wait3A_300] : memref<2x3x128x128xf32, #tpu.memory_space<vmem>> -> memref<1x1x128x128xf32, #tpu.memory_space<vmem>>
      %dma_wait3A_302 = tpu.memref_squeeze %dma_wait3A_301 : memref<1x1x128x128xf32, #tpu.memory_space<vmem>> -> memref<128x128xf32, #tpu.memory_space<vmem>>
      %dma_wait3A_303 = arith.constant 0 : i32
      %dma_wait3A_304 = tpu.memref_slice %arg9[%dma_wait3A_295, %dma_wait3A_296, %dma_wait3A_303] : memref<2x3x128xi32, #tpu.memory_space<vmem>> -> memref<1x1x128xi32, #tpu.memory_space<vmem>>
      %dma_wait3A_305 = tpu.memref_squeeze %dma_wait3A_304 : memref<1x1x128xi32, #tpu.memory_space<vmem>> -> memref<128xi32, #tpu.memory_space<vmem>>
      %dma_wait3A_306 = arith.constant 0 : i32
      %dma_wait3A_307 = arith.constant 0 : i32
      %dma_wait3A_308 = tpu.memref_slice %arg6[%dma_wait3A_306, %dma_wait3A_307] : memref<1024x128xf32, #tpu.memory_space<hbm>> -> memref<1024x128xf32, #tpu.memory_space<hbm>>
      tpu.wait_indirect_dma semaphore(%arg16 : memref<!tpu.dma_semaphore, #tpu.memory_space<semaphore_mem>>) src(%dma_wait3A_308 : memref<1024x128xf32, #tpu.memory_space<hbm>>) dst(%dma_wait3A_302 : memref<128x128xf32, #tpu.memory_space<vmem>>)
      %add3A_309 = arith.constant 2 : i32
      %add3A_310 = arith.addi %add3A_247, %add3A_309 : i32
      %lt3A_311 = arith.constant 200 : i32
      %lt3A_312 = arith.cmpi slt, %add3A_310, %lt3A_311 : i32
      %convert_element_type3A_313 = arith.extui %lt3A_312 : i1 to i32
      %cond3A_314 = arith.constant 0 : i32
      %cond3A_315 = arith.cmpi ne, %convert_element_type3A_313, %cond3A_314 : i32
      scf.if %cond3A_315 {
        %add3A_337 = arith.constant 2 : i32
        %add3A_338 = arith.addi %add3A_247, %add3A_337 : i32
        %mul3A_339 = arith.constant 128 : i32
        %mul3A_340 = arith.muli %add3A_338, %mul3A_339 : i32
        %add3A_341 = arith.addi %mul3A_2, %mul3A_340 : i32
        %dma_start3A_342 = arith.constant 1 : i32
        %dma_start3A_343 = arith.constant 0 : i32
        %dma_start3A_344 = arith.constant 0 : i32
        %dma_start3A_345 = tpu.memref_slice %arg9[%dma_start3A_342, %dma_start3A_343, %dma_start3A_344] : memref<2x3x128xi32, #tpu.memory_space<vmem>> -> memref<1x3x128xi32, #tpu.memory_space<vmem>>
        %dma_start3A_346 = tpu.memref_squeeze %dma_start3A_345 : memref<1x3x128xi32, #tpu.memory_space<vmem>> -> memref<3x128xi32, #tpu.memory_space<vmem>>
        %dma_start3A_347 = arith.constant 0 : i32
        %dma_start3A_348 = tpu.memref_slice %arg2[%dma_start3A_347, %add3A_341] : memref<3x819200xi32, #tpu.memory_space<hbm>> -> memref<3x128xi32, #tpu.memory_space<hbm>>
        %dma_start3A_349 = arith.constant 0 : i32
        %dma_start3A_350 = arith.constant 0 : i32
        %dma_start3A_351 = tpu.memref_slice %arg9[%dma_start3A_342, %dma_start3A_349, %dma_start3A_350] : memref<2x3x128xi32, #tpu.memory_space<vmem>> -> memref<1x3x128xi32, #tpu.memory_space<vmem>>
        %dma_start3A_352 = tpu.memref_squeeze %dma_start3A_351 : memref<1x3x128xi32, #tpu.memory_space<vmem>> -> memref<3x128xi32, #tpu.memory_space<vmem>>
        %dma_start3A_353 = arith.constant 0 : i32
        %dma_start3A_354 = tpu.memref_slice %arg2[%dma_start3A_353, %add3A_341] : memref<3x819200xi32, #tpu.memory_space<hbm>> -> memref<3x128xi32, #tpu.memory_space<hbm>>
        tpu.enqueue_dma source(%dma_start3A_354 : memref<3x128xi32, #tpu.memory_space<hbm>>) target(%dma_start3A_352 : memref<3x128xi32, #tpu.memory_space<vmem>>) target_semaphore(%arg14 : memref<!tpu.dma_semaphore, #tpu.memory_space<semaphore_mem>>)
      } else {
      }
      %parallel_loop3A_316 = arith.constant 0 : i32
      %parallel_loop3A_317 = arith.constant 128 : i32
      %parallel_loop3A_318 = arith.constant 1 : i32
      scf.for %parallel_loop3A_337 = %parallel_loop3A_316 to %parallel_loop3A_317 step %parallel_loop3A_318  : i32 {
        %parallel_loop3A_338 = arith.constant 1 : i32
        %parallel_loop3A_339 = arith.constant 0 : i32
        %parallel_loop3A_340 = arith.index_cast %parallel_loop3A_338 : i32 to index
        %parallel_loop3A_341 = arith.index_cast %parallel_loop3A_339 : i32 to index
        %parallel_loop3A_342 = arith.index_cast %parallel_loop3A_337 : i32 to index
        %parallel_loop3A_343 = arith.constant 0 : index
        %parallel_loop3A_344 = tpu.vector_load %arg10[%parallel_loop3A_340, %parallel_loop3A_341, %parallel_loop3A_342, %parallel_loop3A_343] {strides = array<i32>} : memref<2x3x128x128xf32, #tpu.memory_space<vmem>>, vector<1x1x1x16xf32>,
        %parallel_loop3A_345 = vector.shape_cast %parallel_loop3A_344 : vector<1x1x1x16xf32> to vector<16xf32>
        %parallel_loop3A_346 = arith.constant 1 : i32
        %parallel_loop3A_347 = arith.constant 1 : i32
        %parallel_loop3A_348 = arith.index_cast %parallel_loop3A_346 : i32 to index
        %parallel_loop3A_349 = arith.index_cast %parallel_loop3A_347 : i32 to index
        %parallel_loop3A_350 = arith.index_cast %parallel_loop3A_337 : i32 to index
        %parallel_loop3A_351 = arith.constant 0 : index
        %parallel_loop3A_352 = tpu.vector_load %arg10[%parallel_loop3A_348, %parallel_loop3A_349, %parallel_loop3A_350, %parallel_loop3A_351] {strides = array<i32>} : memref<2x3x128x128xf32, #tpu.memory_space<vmem>>, vector<1x1x1x16xf32>,
        %parallel_loop3A_353 = vector.shape_cast %parallel_loop3A_352 : vector<1x1x1x16xf32> to vector<16xf32>
        %parallel_loop3A_354 = arith.addf %parallel_loop3A_345, %parallel_loop3A_353 : vector<16xf32>
        %parallel_loop3A_355 = arith.constant 1 : i32
        %parallel_loop3A_356 = arith.constant 2 : i32
        %parallel_loop3A_357 = arith.index_cast %parallel_loop3A_355 : i32 to index
        %parallel_loop3A_358 = arith.index_cast %parallel_loop3A_356 : i32 to index
        %parallel_loop3A_359 = arith.index_cast %parallel_loop3A_337 : i32 to index
        %parallel_loop3A_360 = arith.constant 0 : index
        %parallel_loop3A_361 = tpu.vector_load %arg10[%parallel_loop3A_357, %parallel_loop3A_358, %parallel_loop3A_359, %parallel_loop3A_360] {strides = array<i32>} : memref<2x3x128x128xf32, #tpu.memory_space<vmem>>, vector<1x1x1x16xf32>,
        %parallel_loop3A_362 = vector.shape_cast %parallel_loop3A_361 : vector<1x1x1x16xf32> to vector<16xf32>
        %parallel_loop3A_363 = arith.addf %parallel_loop3A_354, %parallel_loop3A_362 : vector<16xf32>
        %parallel_loop3A_364 = arith.addf %parallel_loop3A_363, %get3A_10 : vector<16xf32>
        %parallel_loop3A_365 = arith.constant 1 : i32
        %parallel_loop3A_366 = arith.constant 0 : i32
        %parallel_loop3A_367 = arith.index_cast %parallel_loop3A_365 : i32 to index
        %parallel_loop3A_368 = arith.index_cast %parallel_loop3A_366 : i32 to index
        %parallel_loop3A_369 = arith.index_cast %parallel_loop3A_337 : i32 to index
        %parallel_loop3A_370 = arith.constant 0 : index
        %parallel_loop3A_371 = tpu.vector_load %arg10[%parallel_loop3A_367, %parallel_loop3A_368, %parallel_loop3A_369, %parallel_loop3A_370] {strides = array<i32>} : memref<2x3x128x128xf32, #tpu.memory_space<vmem>>, vector<1x1x1x16xf32>,
        %parallel_loop3A_372 = vector.shape_cast %parallel_loop3A_371 : vector<1x1x1x16xf32> to vector<16xf32>
        %parallel_loop3A_373 = vector.shape_cast %parallel_loop3A_364 : vector<16xf32> to vector<1x1x1x16xf32>
        tpu.vector_store %arg10[%parallel_loop3A_367, %parallel_loop3A_368, %parallel_loop3A_369, %parallel_loop3A_370], %parallel_loop3A_373 {strides = array<i32>} : memref<2x3x128x128xf32, #tpu.memory_space<vmem>>, vector<1x1x1x16xf32>,
        %parallel_loop3A_374 = arith.constant 1 : i32
        %parallel_loop3A_375 = arith.constant 0 : i32
        %parallel_loop3A_376 = arith.index_cast %parallel_loop3A_374 : i32 to index
        %parallel_loop3A_377 = arith.index_cast %parallel_loop3A_375 : i32 to index
        %parallel_loop3A_378 = arith.index_cast %parallel_loop3A_337 : i32 to index
        %parallel_loop3A_379 = arith.constant 16 : index
        %parallel_loop3A_380 = tpu.vector_load %arg10[%parallel_loop3A_376, %parallel_loop3A_377, %parallel_loop3A_378, %parallel_loop3A_379] {strides = array<i32>} : memref<2x3x128x128xf32, #tpu.memory_space<vmem>>, vector<1x1x1x16xf32>,
        %parallel_loop3A_381 = vector.shape_cast %parallel_loop3A_380 : vector<1x1x1x16xf32> to vector<16xf32>
        %parallel_loop3A_382 = arith.constant 1 : i32
        %parallel_loop3A_383 = arith.constant 1 : i32
        %parallel_loop3A_384 = arith.index_cast %parallel_loop3A_382 : i32 to index
        %parallel_loop3A_385 = arith.index_cast %parallel_loop3A_383 : i32 to index
        %parallel_loop3A_386 = arith.index_cast %parallel_loop3A_337 : i32 to index
        %parallel_loop3A_387 = arith.constant 16 : index
        %parallel_loop3A_388 = tpu.vector_load %arg10[%parallel_loop3A_384, %parallel_loop3A_385, %parallel_loop3A_386, %parallel_loop3A_387] {strides = array<i32>} : memref<2x3x128x128xf32, #tpu.memory_space<vmem>>, vector<1x1x1x16xf32>,
        %parallel_loop3A_389 = vector.shape_cast %parallel_loop3A_388 : vector<1x1x1x16xf32> to vector<16xf32>
        %parallel_loop3A_390 = arith.addf %parallel_loop3A_381, %parallel_loop3A_389 : vector<16xf32>
        %parallel_loop3A_391 = arith.constant 1 : i32
        %parallel_loop3A_392 = arith.constant 2 : i32
        %parallel_loop3A_393 = arith.index_cast %parallel_loop3A_391 : i32 to index
        %parallel_loop3A_394 = arith.index_cast %parallel_loop3A_392 : i32 to index
        %parallel_loop3A_395 = arith.index_cast %parallel_loop3A_337 : i32 to index
        %parallel_loop3A_396 = arith.constant 16 : index
        %parallel_loop3A_397 = tpu.vector_load %arg10[%parallel_loop3A_393, %parallel_loop3A_394, %parallel_loop3A_395, %parallel_loop3A_396] {strides = array<i32>} : memref<2x3x128x128xf32, #tpu.memory_space<vmem>>, vector<1x1x1x16xf32>,
        %parallel_loop3A_398 = vector.shape_cast %parallel_loop3A_397 : vector<1x1x1x16xf32> to vector<16xf32>
        %parallel_loop3A_399 = arith.addf %parallel_loop3A_390, %parallel_loop3A_398 : vector<16xf32>
        %parallel_loop3A_400 = arith.addf %parallel_loop3A_399, %get3A_15 : vector<16xf32>
        %parallel_loop3A_401 = arith.constant 1 : i32
        %parallel_loop3A_402 = arith.constant 0 : i32
        %parallel_loop3A_403 = arith.index_cast %parallel_loop3A_401 : i32 to index
        %parallel_loop3A_404 = arith.index_cast %parallel_loop3A_402 : i32 to index
        %parallel_loop3A_405 = arith.index_cast %parallel_loop3A_337 : i32 to index
        %parallel_loop3A_406 = arith.constant 16 : index
        %parallel_loop3A_407 = tpu.vector_load %arg10[%parallel_loop3A_403, %parallel_loop3A_404, %parallel_loop3A_405, %parallel_loop3A_406] {strides = array<i32>} : memref<2x3x128x128xf32, #tpu.memory_space<vmem>>, vector<1x1x1x16xf32>,
        %parallel_loop3A_408 = vector.shape_cast %parallel_loop3A_407 : vector<1x1x1x16xf32> to vector<16xf32>
        %parallel_loop3A_409 = vector.shape_cast %parallel_loop3A_400 : vector<16xf32> to vector<1x1x1x16xf32>
        tpu.vector_store %arg10[%parallel_loop3A_403, %parallel_loop3A_404, %parallel_loop3A_405, %parallel_loop3A_406], %parallel_loop3A_409 {strides = array<i32>} : memref<2x3x128x128xf32, #tpu.memory_space<vmem>>, vector<1x1x1x16xf32>,
        %parallel_loop3A_410 = arith.constant 1 : i32
        %parallel_loop3A_411 = arith.constant 0 : i32
        %parallel_loop3A_412 = arith.index_cast %parallel_loop3A_410 : i32 to index
        %parallel_loop3A_413 = arith.index_cast %parallel_loop3A_411 : i32 to index
        %parallel_loop3A_414 = arith.index_cast %parallel_loop3A_337 : i32 to index
        %parallel_loop3A_415 = arith.constant 32 : index
        %parallel_loop3A_416 = tpu.vector_load %arg10[%parallel_loop3A_412, %parallel_loop3A_413, %parallel_loop3A_414, %parallel_loop3A_415] {strides = array<i32>} : memref<2x3x128x128xf32, #tpu.memory_space<vmem>>, vector<1x1x1x16xf32>,
        %parallel_loop3A_417 = vector.shape_cast %parallel_loop3A_416 : vector<1x1x1x16xf32> to vector<16xf32>
        %parallel_loop3A_418 = arith.constant 1 : i32
        %parallel_loop3A_419 = arith.constant 1 : i32
        %parallel_loop3A_420 = arith.index_cast %parallel_loop3A_418 : i32 to index
        %parallel_loop3A_421 = arith.index_cast %parallel_loop3A_419 : i32 to index
        %parallel_loop3A_422 = arith.index_cast %parallel_loop3A_337 : i32 to index
        %parallel_loop3A_423 = arith.constant 32 : index
        %parallel_loop3A_424 = tpu.vector_load %arg10[%parallel_loop3A_420, %parallel_loop3A_421, %parallel_loop3A_422, %parallel_loop3A_423] {strides = array<i32>} : memref<2x3x128x128xf32, #tpu.memory_space<vmem>>, vector<1x1x1x16xf32>,
        %parallel_loop3A_425 = vector.shape_cast %parallel_loop3A_424 : vector<1x1x1x16xf32> to vector<16xf32>
        %parallel_loop3A_426 = arith.addf %parallel_loop3A_417, %parallel_loop3A_425 : vector<16xf32>
        %parallel_loop3A_427 = arith.constant 1 : i32
        %parallel_loop3A_428 = arith.constant 2 : i32
        %parallel_loop3A_429 = arith.index_cast %parallel_loop3A_427 : i32 to index
        %parallel_loop3A_430 = arith.index_cast %parallel_loop3A_428 : i32 to index
        %parallel_loop3A_431 = arith.index_cast %parallel_loop3A_337 : i32 to index
        %parallel_loop3A_432 = arith.constant 32 : index
        %parallel_loop3A_433 = tpu.vector_load %arg10[%parallel_loop3A_429, %parallel_loop3A_430, %parallel_loop3A_431, %parallel_loop3A_432] {strides = array<i32>} : memref<2x3x128x128xf32, #tpu.memory_space<vmem>>, vector<1x1x1x16xf32>,
        %parallel_loop3A_434 = vector.shape_cast %parallel_loop3A_433 : vector<1x1x1x16xf32> to vector<16xf32>
        %parallel_loop3A_435 = arith.addf %parallel_loop3A_426, %parallel_loop3A_434 : vector<16xf32>
        %parallel_loop3A_436 = arith.addf %parallel_loop3A_435, %get3A_20 : vector<16xf32>
        %parallel_loop3A_437 = arith.constant 1 : i32
        %parallel_loop3A_438 = arith.constant 0 : i32
        %parallel_loop3A_439 = arith.index_cast %parallel_loop3A_437 : i32 to index
        %parallel_loop3A_440 = arith.index_cast %parallel_loop3A_438 : i32 to index
        %parallel_loop3A_441 = arith.index_cast %parallel_loop3A_337 : i32 to index
        %parallel_loop3A_442 = arith.constant 32 : index
        %parallel_loop3A_443 = tpu.vector_load %arg10[%parallel_loop3A_439, %parallel_loop3A_440, %parallel_loop3A_441, %parallel_loop3A_442] {strides = array<i32>} : memref<2x3x128x128xf32, #tpu.memory_space<vmem>>, vector<1x1x1x16xf32>,
        %parallel_loop3A_444 = vector.shape_cast %parallel_loop3A_443 : vector<1x1x1x16xf32> to vector<16xf32>
        %parallel_loop3A_445 = vector.shape_cast %parallel_loop3A_436 : vector<16xf32> to vector<1x1x1x16xf32>
        tpu.vector_store %arg10[%parallel_loop3A_439, %parallel_loop3A_440, %parallel_loop3A_441, %parallel_loop3A_442], %parallel_loop3A_445 {strides = array<i32>} : memref<2x3x128x128xf32, #tpu.memory_space<vmem>>, vector<1x1x1x16xf32>,
        %parallel_loop3A_446 = arith.constant 1 : i32
        %parallel_loop3A_447 = arith.constant 0 : i32
        %parallel_loop3A_448 = arith.index_cast %parallel_loop3A_446 : i32 to index
        %parallel_loop3A_449 = arith.index_cast %parallel_loop3A_447 : i32 to index
        %parallel_loop3A_450 = arith.index_cast %parallel_loop3A_337 : i32 to index
        %parallel_loop3A_451 = arith.constant 48 : index
        %parallel_loop3A_452 = tpu.vector_load %arg10[%parallel_loop3A_448, %parallel_loop3A_449, %parallel_loop3A_450, %parallel_loop3A_451] {strides = array<i32>} : memref<2x3x128x128xf32, #tpu.memory_space<vmem>>, vector<1x1x1x16xf32>,
        %parallel_loop3A_453 = vector.shape_cast %parallel_loop3A_452 : vector<1x1x1x16xf32> to vector<16xf32>
        %parallel_loop3A_454 = arith.constant 1 : i32
        %parallel_loop3A_455 = arith.constant 1 : i32
        %parallel_loop3A_456 = arith.index_cast %parallel_loop3A_454 : i32 to index
        %parallel_loop3A_457 = arith.index_cast %parallel_loop3A_455 : i32 to index
        %parallel_loop3A_458 = arith.index_cast %parallel_loop3A_337 : i32 to index
        %parallel_loop3A_459 = arith.constant 48 : index
        %parallel_loop3A_460 = tpu.vector_load %arg10[%parallel_loop3A_456, %parallel_loop3A_457, %parallel_loop3A_458, %parallel_loop3A_459] {strides = array<i32>} : memref<2x3x128x128xf32, #tpu.memory_space<vmem>>, vector<1x1x1x16xf32>,
        %parallel_loop3A_461 = vector.shape_cast %parallel_loop3A_460 : vector<1x1x1x16xf32> to vector<16xf32>
        %parallel_loop3A_462 = arith.addf %parallel_loop3A_453, %parallel_loop3A_461 : vector<16xf32>
        %parallel_loop3A_463 = arith.constant 1 : i32
        %parallel_loop3A_464 = arith.constant 2 : i32
        %parallel_loop3A_465 = arith.index_cast %parallel_loop3A_463 : i32 to index
        %parallel_loop3A_466 = arith.index_cast %parallel_loop3A_464 : i32 to index
        %parallel_loop3A_467 = arith.index_cast %parallel_loop3A_337 : i32 to index
        %parallel_loop3A_468 = arith.constant 48 : index
        %parallel_loop3A_469 = tpu.vector_load %arg10[%parallel_loop3A_465, %parallel_loop3A_466, %parallel_loop3A_467, %parallel_loop3A_468] {strides = array<i32>} : memref<2x3x128x128xf32, #tpu.memory_space<vmem>>, vector<1x1x1x16xf32>,
        %parallel_loop3A_470 = vector.shape_cast %parallel_loop3A_469 : vector<1x1x1x16xf32> to vector<16xf32>
        %parallel_loop3A_471 = arith.addf %parallel_loop3A_462, %parallel_loop3A_470 : vector<16xf32>
        %parallel_loop3A_472 = arith.addf %parallel_loop3A_471, %get3A_25 : vector<16xf32>
        %parallel_loop3A_473 = arith.constant 1 : i32
        %parallel_loop3A_474 = arith.constant 0 : i32
        %parallel_loop3A_475 = arith.index_cast %parallel_loop3A_473 : i32 to index
        %parallel_loop3A_476 = arith.index_cast %parallel_loop3A_474 : i32 to index
        %parallel_loop3A_477 = arith.index_cast %parallel_loop3A_337 : i32 to index
        %parallel_loop3A_478 = arith.constant 48 : index
        %parallel_loop3A_479 = tpu.vector_load %arg10[%parallel_loop3A_475, %parallel_loop3A_476, %parallel_loop3A_477, %parallel_loop3A_478] {strides = array<i32>} : memref<2x3x128x128xf32, #tpu.memory_space<vmem>>, vector<1x1x1x16xf32>,
        %parallel_loop3A_480 = vector.shape_cast %parallel_loop3A_479 : vector<1x1x1x16xf32> to vector<16xf32>
        %parallel_loop3A_481 = vector.shape_cast %parallel_loop3A_472 : vector<16xf32> to vector<1x1x1x16xf32>
        tpu.vector_store %arg10[%parallel_loop3A_475, %parallel_loop3A_476, %parallel_loop3A_477, %parallel_loop3A_478], %parallel_loop3A_481 {strides = array<i32>} : memref<2x3x128x128xf32, #tpu.memory_space<vmem>>, vector<1x1x1x16xf32>,
        %parallel_loop3A_482 = arith.constant 1 : i32
        %parallel_loop3A_483 = arith.constant 0 : i32
        %parallel_loop3A_484 = arith.index_cast %parallel_loop3A_482 : i32 to index
        %parallel_loop3A_485 = arith.index_cast %parallel_loop3A_483 : i32 to index
        %parallel_loop3A_486 = arith.index_cast %parallel_loop3A_337 : i32 to index
        %parallel_loop3A_487 = arith.constant 64 : index
        %parallel_loop3A_488 = tpu.vector_load %arg10[%parallel_loop3A_484, %parallel_loop3A_485, %parallel_loop3A_486, %parallel_loop3A_487] {strides = array<i32>} : memref<2x3x128x128xf32, #tpu.memory_space<vmem>>, vector<1x1x1x16xf32>,
        %parallel_loop3A_489 = vector.shape_cast %parallel_loop3A_488 : vector<1x1x1x16xf32> to vector<16xf32>
        %parallel_loop3A_490 = arith.constant 1 : i32
        %parallel_loop3A_491 = arith.constant 1 : i32
        %parallel_loop3A_492 = arith.index_cast %parallel_loop3A_490 : i32 to index
        %parallel_loop3A_493 = arith.index_cast %parallel_loop3A_491 : i32 to index
        %parallel_loop3A_494 = arith.index_cast %parallel_loop3A_337 : i32 to index
        %parallel_loop3A_495 = arith.constant 64 : index
        %parallel_loop3A_496 = tpu.vector_load %arg10[%parallel_loop3A_492, %parallel_loop3A_493, %parallel_loop3A_494, %parallel_loop3A_495] {strides = array<i32>} : memref<2x3x128x128xf32, #tpu.memory_space<vmem>>, vector<1x1x1x16xf32>,
        %parallel_loop3A_497 = vector.shape_cast %parallel_loop3A_496 : vector<1x1x1x16xf32> to vector<16xf32>
        %parallel_loop3A_498 = arith.addf %parallel_loop3A_489, %parallel_loop3A_497 : vector<16xf32>
        %parallel_loop3A_499 = arith.constant 1 : i32
        %parallel_loop3A_500 = arith.constant 2 : i32
        %parallel_loop3A_501 = arith.index_cast %parallel_loop3A_499 : i32 to index
        %parallel_loop3A_502 = arith.index_cast %parallel_loop3A_500 : i32 to index
        %parallel_loop3A_503 = arith.index_cast %parallel_loop3A_337 : i32 to index
        %parallel_loop3A_504 = arith.constant 64 : index
        %parallel_loop3A_505 = tpu.vector_load %arg10[%parallel_loop3A_501, %parallel_loop3A_502, %parallel_loop3A_503, %parallel_loop3A_504] {strides = array<i32>} : memref<2x3x128x128xf32, #tpu.memory_space<vmem>>, vector<1x1x1x16xf32>,
        %parallel_loop3A_506 = vector.shape_cast %parallel_loop3A_505 : vector<1x1x1x16xf32> to vector<16xf32>
        %parallel_loop3A_507 = arith.addf %parallel_loop3A_498, %parallel_loop3A_506 : vector<16xf32>
        %parallel_loop3A_508 = arith.addf %parallel_loop3A_507, %get3A_30 : vector<16xf32>
        %parallel_loop3A_509 = arith.constant 1 : i32
        %parallel_loop3A_510 = arith.constant 0 : i32
        %parallel_loop3A_511 = arith.index_cast %parallel_loop3A_509 : i32 to index
        %parallel_loop3A_512 = arith.index_cast %parallel_loop3A_510 : i32 to index
        %parallel_loop3A_513 = arith.index_cast %parallel_loop3A_337 : i32 to index
        %parallel_loop3A_514 = arith.constant 64 : index
        %parallel_loop3A_515 = tpu.vector_load %arg10[%parallel_loop3A_511, %parallel_loop3A_512, %parallel_loop3A_513, %parallel_loop3A_514] {strides = array<i32>} : memref<2x3x128x128xf32, #tpu.memory_space<vmem>>, vector<1x1x1x16xf32>,
        %parallel_loop3A_516 = vector.shape_cast %parallel_loop3A_515 : vector<1x1x1x16xf32> to vector<16xf32>
        %parallel_loop3A_517 = vector.shape_cast %parallel_loop3A_508 : vector<16xf32> to vector<1x1x1x16xf32>
        tpu.vector_store %arg10[%parallel_loop3A_511, %parallel_loop3A_512, %parallel_loop3A_513, %parallel_loop3A_514], %parallel_loop3A_517 {strides = array<i32>} : memref<2x3x128x128xf32, #tpu.memory_space<vmem>>, vector<1x1x1x16xf32>,
        %parallel_loop3A_518 = arith.constant 1 : i32
        %parallel_loop3A_519 = arith.constant 0 : i32
        %parallel_loop3A_520 = arith.index_cast %parallel_loop3A_518 : i32 to index
        %parallel_loop3A_521 = arith.index_cast %parallel_loop3A_519 : i32 to index
        %parallel_loop3A_522 = arith.index_cast %parallel_loop3A_337 : i32 to index
        %parallel_loop3A_523 = arith.constant 80 : index
        %parallel_loop3A_524 = tpu.vector_load %arg10[%parallel_loop3A_520, %parallel_loop3A_521, %parallel_loop3A_522, %parallel_loop3A_523] {strides = array<i32>} : memref<2x3x128x128xf32, #tpu.memory_space<vmem>>, vector<1x1x1x16xf32>,
        %parallel_loop3A_525 = vector.shape_cast %parallel_loop3A_524 : vector<1x1x1x16xf32> to vector<16xf32>
        %parallel_loop3A_526 = arith.constant 1 : i32
        %parallel_loop3A_527 = arith.constant 1 : i32
        %parallel_loop3A_528 = arith.index_cast %parallel_loop3A_526 : i32 to index
        %parallel_loop3A_529 = arith.index_cast %parallel_loop3A_527 : i32 to index
        %parallel_loop3A_530 = arith.index_cast %parallel_loop3A_337 : i32 to index
        %parallel_loop3A_531 = arith.constant 80 : index
        %parallel_loop3A_532 = tpu.vector_load %arg10[%parallel_loop3A_528, %parallel_loop3A_529, %parallel_loop3A_530, %parallel_loop3A_531] {strides = array<i32>} : memref<2x3x128x128xf32, #tpu.memory_space<vmem>>, vector<1x1x1x16xf32>,
        %parallel_loop3A_533 = vector.shape_cast %parallel_loop3A_532 : vector<1x1x1x16xf32> to vector<16xf32>
        %parallel_loop3A_534 = arith.addf %parallel_loop3A_525, %parallel_loop3A_533 : vector<16xf32>
        %parallel_loop3A_535 = arith.constant 1 : i32
        %parallel_loop3A_536 = arith.constant 2 : i32
        %parallel_loop3A_537 = arith.index_cast %parallel_loop3A_535 : i32 to index
        %parallel_loop3A_538 = arith.index_cast %parallel_loop3A_536 : i32 to index
        %parallel_loop3A_539 = arith.index_cast %parallel_loop3A_337 : i32 to index
        %parallel_loop3A_540 = arith.constant 80 : index
        %parallel_loop3A_541 = tpu.vector_load %arg10[%parallel_loop3A_537, %parallel_loop3A_538, %parallel_loop3A_539, %parallel_loop3A_540] {strides = array<i32>} : memref<2x3x128x128xf32, #tpu.memory_space<vmem>>, vector<1x1x1x16xf32>,
        %parallel_loop3A_542 = vector.shape_cast %parallel_loop3A_541 : vector<1x1x1x16xf32> to vector<16xf32>
        %parallel_loop3A_543 = arith.addf %parallel_loop3A_534, %parallel_loop3A_542 : vector<16xf32>
        %parallel_loop3A_544 = arith.addf %parallel_loop3A_543, %get3A_35 : vector<16xf32>
        %parallel_loop3A_545 = arith.constant 1 : i32
        %parallel_loop3A_546 = arith.constant 0 : i32
        %parallel_loop3A_547 = arith.index_cast %parallel_loop3A_545 : i32 to index
        %parallel_loop3A_548 = arith.index_cast %parallel_loop3A_546 : i32 to index
        %parallel_loop3A_549 = arith.index_cast %parallel_loop3A_337 : i32 to index
        %parallel_loop3A_550 = arith.constant 80 : index
        %parallel_loop3A_551 = tpu.vector_load %arg10[%parallel_loop3A_547, %parallel_loop3A_548, %parallel_loop3A_549, %parallel_loop3A_550] {strides = array<i32>} : memref<2x3x128x128xf32, #tpu.memory_space<vmem>>, vector<1x1x1x16xf32>,
        %parallel_loop3A_552 = vector.shape_cast %parallel_loop3A_551 : vector<1x1x1x16xf32> to vector<16xf32>
        %parallel_loop3A_553 = vector.shape_cast %parallel_loop3A_544 : vector<16xf32> to vector<1x1x1x16xf32>
        tpu.vector_store %arg10[%parallel_loop3A_547, %parallel_loop3A_548, %parallel_loop3A_549, %parallel_loop3A_550], %parallel_loop3A_553 {strides = array<i32>} : memref<2x3x128x128xf32, #tpu.memory_space<vmem>>, vector<1x1x1x16xf32>,
        %parallel_loop3A_554 = arith.constant 1 : i32
        %parallel_loop3A_555 = arith.constant 0 : i32
        %parallel_loop3A_556 = arith.index_cast %parallel_loop3A_554 : i32 to index
        %parallel_loop3A_557 = arith.index_cast %parallel_loop3A_555 : i32 to index
        %parallel_loop3A_558 = arith.index_cast %parallel_loop3A_337 : i32 to index
        %parallel_loop3A_559 = arith.constant 96 : index
        %parallel_loop3A_560 = tpu.vector_load %arg10[%parallel_loop3A_556, %parallel_loop3A_557, %parallel_loop3A_558, %parallel_loop3A_559] {strides = array<i32>} : memref<2x3x128x128xf32, #tpu.memory_space<vmem>>, vector<1x1x1x16xf32>,
        %parallel_loop3A_561 = vector.shape_cast %parallel_loop3A_560 : vector<1x1x1x16xf32> to vector<16xf32>
        %parallel_loop3A_562 = arith.constant 1 : i32
        %parallel_loop3A_563 = arith.constant 1 : i32
        %parallel_loop3A_564 = arith.index_cast %parallel_loop3A_562 : i32 to index
        %parallel_loop3A_565 = arith.index_cast %parallel_loop3A_563 : i32 to index
        %parallel_loop3A_566 = arith.index_cast %parallel_loop3A_337 : i32 to index
        %parallel_loop3A_567 = arith.constant 96 : index
        %parallel_loop3A_568 = tpu.vector_load %arg10[%parallel_loop3A_564, %parallel_loop3A_565, %parallel_loop3A_566, %parallel_loop3A_567] {strides = array<i32>} : memref<2x3x128x128xf32, #tpu.memory_space<vmem>>, vector<1x1x1x16xf32>,
        %parallel_loop3A_569 = vector.shape_cast %parallel_loop3A_568 : vector<1x1x1x16xf32> to vector<16xf32>
        %parallel_loop3A_570 = arith.addf %parallel_loop3A_561, %parallel_loop3A_569 : vector<16xf32>
        %parallel_loop3A_571 = arith.constant 1 : i32
        %parallel_loop3A_572 = arith.constant 2 : i32
        %parallel_loop3A_573 = arith.index_cast %parallel_loop3A_571 : i32 to index
        %parallel_loop3A_574 = arith.index_cast %parallel_loop3A_572 : i32 to index
        %parallel_loop3A_575 = arith.index_cast %parallel_loop3A_337 : i32 to index
        %parallel_loop3A_576 = arith.constant 96 : index
        %parallel_loop3A_577 = tpu.vector_load %arg10[%parallel_loop3A_573, %parallel_loop3A_574, %parallel_loop3A_575, %parallel_loop3A_576] {strides = array<i32>} : memref<2x3x128x128xf32, #tpu.memory_space<vmem>>, vector<1x1x1x16xf32>,
        %parallel_loop3A_578 = vector.shape_cast %parallel_loop3A_577 : vector<1x1x1x16xf32> to vector<16xf32>
        %parallel_loop3A_579 = arith.addf %parallel_loop3A_570, %parallel_loop3A_578 : vector<16xf32>
        %parallel_loop3A_580 = arith.addf %parallel_loop3A_579, %get3A_40 : vector<16xf32>
        %parallel_loop3A_581 = arith.constant 1 : i32
        %parallel_loop3A_582 = arith.constant 0 : i32
        %parallel_loop3A_583 = arith.index_cast %parallel_loop3A_581 : i32 to index
        %parallel_loop3A_584 = arith.index_cast %parallel_loop3A_582 : i32 to index
        %parallel_loop3A_585 = arith.index_cast %parallel_loop3A_337 : i32 to index
        %parallel_loop3A_586 = arith.constant 96 : index
        %parallel_loop3A_587 = tpu.vector_load %arg10[%parallel_loop3A_583, %parallel_loop3A_584, %parallel_loop3A_585, %parallel_loop3A_586] {strides = array<i32>} : memref<2x3x128x128xf32, #tpu.memory_space<vmem>>, vector<1x1x1x16xf32>,
        %parallel_loop3A_588 = vector.shape_cast %parallel_loop3A_587 : vector<1x1x1x16xf32> to vector<16xf32>
        %parallel_loop3A_589 = vector.shape_cast %parallel_loop3A_580 : vector<16xf32> to vector<1x1x1x16xf32>
        tpu.vector_store %arg10[%parallel_loop3A_583, %parallel_loop3A_584, %parallel_loop3A_585, %parallel_loop3A_586], %parallel_loop3A_589 {strides = array<i32>} : memref<2x3x128x128xf32, #tpu.memory_space<vmem>>, vector<1x1x1x16xf32>,
        %parallel_loop3A_590 = arith.constant 1 : i32
        %parallel_loop3A_591 = arith.constant 0 : i32
        %parallel_loop3A_592 = arith.index_cast %parallel_loop3A_590 : i32 to index
        %parallel_loop3A_593 = arith.index_cast %parallel_loop3A_591 : i32 to index
        %parallel_loop3A_594 = arith.index_cast %parallel_loop3A_337 : i32 to index
        %parallel_loop3A_595 = arith.constant 112 : index
        %parallel_loop3A_596 = tpu.vector_load %arg10[%parallel_loop3A_592, %parallel_loop3A_593, %parallel_loop3A_594, %parallel_loop3A_595] {strides = array<i32>} : memref<2x3x128x128xf32, #tpu.memory_space<vmem>>, vector<1x1x1x16xf32>,
        %parallel_loop3A_597 = vector.shape_cast %parallel_loop3A_596 : vector<1x1x1x16xf32> to vector<16xf32>
        %parallel_loop3A_598 = arith.constant 1 : i32
        %parallel_loop3A_599 = arith.constant 1 : i32
        %parallel_loop3A_600 = arith.index_cast %parallel_loop3A_598 : i32 to index
        %parallel_loop3A_601 = arith.index_cast %parallel_loop3A_599 : i32 to index
        %parallel_loop3A_602 = arith.index_cast %parallel_loop3A_337 : i32 to index
        %parallel_loop3A_603 = arith.constant 112 : index
        %parallel_loop3A_604 = tpu.vector_load %arg10[%parallel_loop3A_600, %parallel_loop3A_601, %parallel_loop3A_602, %parallel_loop3A_603] {strides = array<i32>} : memref<2x3x128x128xf32, #tpu.memory_space<vmem>>, vector<1x1x1x16xf32>,
        %parallel_loop3A_605 = vector.shape_cast %parallel_loop3A_604 : vector<1x1x1x16xf32> to vector<16xf32>
        %parallel_loop3A_606 = arith.addf %parallel_loop3A_597, %parallel_loop3A_605 : vector<16xf32>
        %parallel_loop3A_607 = arith.constant 1 : i32
        %parallel_loop3A_608 = arith.constant 2 : i32
        %parallel_loop3A_609 = arith.index_cast %parallel_loop3A_607 : i32 to index
        %parallel_loop3A_610 = arith.index_cast %parallel_loop3A_608 : i32 to index
        %parallel_loop3A_611 = arith.index_cast %parallel_loop3A_337 : i32 to index
        %parallel_loop3A_612 = arith.constant 112 : index
        %parallel_loop3A_613 = tpu.vector_load %arg10[%parallel_loop3A_609, %parallel_loop3A_610, %parallel_loop3A_611, %parallel_loop3A_612] {strides = array<i32>} : memref<2x3x128x128xf32, #tpu.memory_space<vmem>>, vector<1x1x1x16xf32>,
        %parallel_loop3A_614 = vector.shape_cast %parallel_loop3A_613 : vector<1x1x1x16xf32> to vector<16xf32>
        %parallel_loop3A_615 = arith.addf %parallel_loop3A_606, %parallel_loop3A_614 : vector<16xf32>
        %parallel_loop3A_616 = arith.addf %parallel_loop3A_615, %get3A_45 : vector<16xf32>
        %parallel_loop3A_617 = arith.constant 1 : i32
        %parallel_loop3A_618 = arith.constant 0 : i32
        %parallel_loop3A_619 = arith.index_cast %parallel_loop3A_617 : i32 to index
        %parallel_loop3A_620 = arith.index_cast %parallel_loop3A_618 : i32 to index
        %parallel_loop3A_621 = arith.index_cast %parallel_loop3A_337 : i32 to index
        %parallel_loop3A_622 = arith.constant 112 : index
        %parallel_loop3A_623 = tpu.vector_load %arg10[%parallel_loop3A_619, %parallel_loop3A_620, %parallel_loop3A_621, %parallel_loop3A_622] {strides = array<i32>} : memref<2x3x128x128xf32, #tpu.memory_space<vmem>>, vector<1x1x1x16xf32>,
        %parallel_loop3A_624 = vector.shape_cast %parallel_loop3A_623 : vector<1x1x1x16xf32> to vector<16xf32>
        %parallel_loop3A_625 = vector.shape_cast %parallel_loop3A_616 : vector<16xf32> to vector<1x1x1x16xf32>
        tpu.vector_store %arg10[%parallel_loop3A_619, %parallel_loop3A_620, %parallel_loop3A_621, %parallel_loop3A_622], %parallel_loop3A_625 {strides = array<i32>} : memref<2x3x128x128xf32, #tpu.memory_space<vmem>>, vector<1x1x1x16xf32>,
      } {sc.loop_unroll_factor = 4 : i64, sc.parallel_access}
      %mul3A_319 = arith.constant 128 : i32
      %mul3A_320 = arith.muli %add3A_247, %mul3A_319 : i32
      %add3A_321 = arith.addi %mul3A_2, %mul3A_320 : i32
      %dma_start3A_322 = arith.constant 1 : i32
      %dma_start3A_323 = arith.constant 0 : i32
      %dma_start3A_324 = arith.constant 0 : i32
      %dma_start3A_325 = arith.constant 0 : i32
      %dma_start3A_326 = tpu.memref_slice %arg10[%dma_start3A_322, %dma_start3A_323, %dma_start3A_324, %dma_start3A_325] : memref<2x3x128x128xf32, #tpu.memory_space<vmem>> -> memref<1x1x128x128xf32, #tpu.memory_space<vmem>>
      %dma_start3A_327 = tpu.memref_squeeze %dma_start3A_326 : memref<1x1x128x128xf32, #tpu.memory_space<vmem>> -> memref<128x128xf32, #tpu.memory_space<vmem>>
      %dma_start3A_328 = arith.constant 0 : i32
      %dma_start3A_329 = tpu.memref_slice %arg8[%add3A_321, %dma_start3A_328] : memref<819200x128xf32, #tpu.memory_space<hbm>> -> memref<128x128xf32, #tpu.memory_space<hbm>>
      %dma_start3A_330 = arith.constant 0 : i32
      %dma_start3A_331 = tpu.memref_slice %arg8[%add3A_321, %dma_start3A_330] : memref<819200x128xf32, #tpu.memory_space<hbm>> -> memref<128x128xf32, #tpu.memory_space<hbm>>
      %dma_start3A_332 = arith.constant 0 : i32
      %dma_start3A_333 = arith.constant 0 : i32
      %dma_start3A_334 = tpu.memref_slice %arg10[%dma_start3A_322, %dma_start3A_323, %dma_start3A_332, %dma_start3A_333] : memref<2x3x128x128xf32, #tpu.memory_space<vmem>> -> memref<1x1x128x128xf32, #tpu.memory_space<vmem>>
      %dma_start3A_335 = tpu.memref_squeeze %dma_start3A_334 : memref<1x1x128x128xf32, #tpu.memory_space<vmem>> -> memref<128x128xf32, #tpu.memory_space<vmem>>
      tpu.enqueue_dma source(%dma_start3A_335 : memref<128x128xf32, #tpu.memory_space<vmem>>) target(%dma_start3A_331 : memref<128x128xf32, #tpu.memory_space<hbm>>) target_semaphore(%arg18 : memref<!tpu.dma_semaphore, #tpu.memory_space<semaphore_mem>>)
      %scan3A_336 = arith.constant 0 : i32
      scf.yield %scan3A_336 : i32
    }
    %scan3A_138 = arith.constant 100 : i32
    %add3A_139 = arith.constant 25472 : i32
    %add3A_140 = arith.addi %mul3A_2, %add3A_139 : i32
    %dma_wait3A_141 = arith.constant 1 : i32
    %dma_wait3A_142 = arith.constant 0 : i32
    %dma_wait3A_143 = arith.constant 0 : i32
    %dma_wait3A_144 = arith.constant 0 : i32
    %dma_wait3A_145 = tpu.memref_slice %arg10[%dma_wait3A_141, %dma_wait3A_142, %dma_wait3A_143, %dma_wait3A_144] : memref<2x3x128x128xf32, #tpu.memory_space<vmem>> -> memref<1x1x128x128xf32, #tpu.memory_space<vmem>>
    %dma_wait3A_146 = tpu.memref_squeeze %dma_wait3A_145 : memref<1x1x128x128xf32, #tpu.memory_space<vmem>> -> memref<128x128xf32, #tpu.memory_space<vmem>>
    %dma_wait3A_147 = arith.constant 0 : i32
    %dma_wait3A_148 = tpu.memref_slice %arg8[%add3A_140, %dma_wait3A_147] : memref<819200x128xf32, #tpu.memory_space<hbm>> -> memref<128x128xf32, #tpu.memory_space<hbm>>
    %dma_wait3A_149 = arith.constant 0 : i32
    %dma_wait3A_150 = tpu.memref_slice %arg8[%add3A_140, %dma_wait3A_149] : memref<819200x128xf32, #tpu.memory_space<hbm>> -> memref<128x128xf32, #tpu.memory_space<hbm>>
    %dma_wait3A_151 = arith.constant 0 : i32
    %dma_wait3A_152 = arith.constant 0 : i32
    %dma_wait3A_153 = tpu.memref_slice %arg10[%dma_wait3A_141, %dma_wait3A_142, %dma_wait3A_151, %dma_wait3A_152] : memref<2x3x128x128xf32, #tpu.memory_space<vmem>> -> memref<1x1x128x128xf32, #tpu.memory_space<vmem>>
    %dma_wait3A_154 = tpu.memref_squeeze %dma_wait3A_153 : memref<1x1x128x128xf32, #tpu.memory_space<vmem>> -> memref<128x128xf32, #tpu.memory_space<vmem>>
    tpu.wait_dma2 semaphore(%arg18 : memref<!tpu.dma_semaphore, #tpu.memory_space<semaphore_mem>>) src(%dma_wait3A_154 : memref<128x128xf32, #tpu.memory_space<vmem>>) dst(%dma_wait3A_150 : memref<128x128xf32, #tpu.memory_space<hbm>>)
    return
  }
}

</mosaic_0001>

<sc_bundles>
// kernel: kernel.3.cloned.1.call-start
scs
__scs_entry_jumppad:
0x0: {  	(pc) =	sbr.rel $0x88, $3  }
0x1: {  	(tag) =	ssettag $0x0;
	lr =	simm.s32 $0x1  }
0x2: {  	[smem:$0x3F9B] =	sst lr;
	_ =	strace $0xD0000000  }
0x3: {  	_ = 	snop  }
0x4: {  	_ = 	snop  }
0x5: {  	_ = 	snop  }
0x6: {  	_ = 	snop  }
0x7: {  	_ = 	snop  }
__scs_overlays_trampoline_lowered:
0x8: {  	[smem:$0x3FAA] =	sst s0  }
0x9: {  	[smem:$0x3FAB] =	sst s1  }
0xa: {  	[smem:$0x3FAC] =	sst s2  }
0xb: {  	[smem:$0x3FAD] =	sst s3  }
0xc: {  	[smem:$0x3FAE] =	sst s4  }
0xd: {  	[smem:$0x3FAF] =	sst s5  }
0xe: {  	[smem:$0x3FB0] =	sst s6  }
0xf: {  	[smem:$0x3FB1] =	sst s7  }
0x10: {  	[smem:$0x3FB2] =	sst s8  }
0x11: {  	[smem:$0x3FB3] =	sst s9;
	s0 =	simm.s32 @!p0 $0x0  }
0x12: {  	s1 =	sld [smem:$0x3F99];
	s0 =	simm.s32 @p0 $0x1  }
0x13: {  	[smem:$0x3FB4] =	sst s0;
	s0 =	simm.s32 @!p1 $0x0  }
0x14: {  	s2 =	sld [smem:$0x3F98];
	s0 =	simm.s32 @p1 $0x1  }
0x15: {  	[smem:$0x3FB5] =	sst s0;
	s0 =	simm.s32 @!p2 $0x0  }
0x16: {  	s3 =	sld [smem:$0x3FDB];
	s0 =	simm.s32 @p2 $0x1  }
0x17: {  	s4 =	simm.s32 $0x1BF5;
	[smem:$0x3FB7] =	sst s0  }
0x18: {  	s0 =	sld [smem:$0x3F9A];
	_ =	swait.ge [sflag:s4], $0x0  }
0x19: {  	s7 =	sld [smem:$0x3F9B]  }
0x1a: {  	s8 =	sadd.s32 $0xFFFFE003, lr  }
0x1b: {  	s9 =	sadd.s32 $0xFFFFFEF7, lr;
	s5 =	simm.s32 $0xFFFFFFFF;
	p2 =	slt.u32 s8, $0xFFFFF086  }
0x1c: {  	p1 =	slt.u32 s9, $0xF7A;
	s5 =	simm.s32 @!p2 $0x0  }
0x1d: {  	s5 =	simm.s32 @p1 $0x1;
	p0 =	seq.s32 s7, s2  }
0x1e: {  	s7 =	smul.u32 @!p0 $0xF7A, s2;
	p2 =	seq.s32 @!p0 s5, $0x0  }
0x1f: {  	s9 =	smul.u32 $0xF7A, s1;
	s8 =	simm.s32 @!p0 $0x1BF5;
	p2 =	por !p2, p0  }
0x20: {  	[sflag:s8] =	ssyncset.s32 @!p0 $0xFFFFF086;
	s6 =	sadd.s32 @!p0 s3, s7;
	s7 =	simm.s32 @!p0 $0x108  }
0x21: {  	s3 =	sadd.s32 s3, s9;
	s6 =	sadd.s32 @!p0 $0x88, s6;
	s7 =	simm.s32 @p2 $0x1082  }
0x22: {  	[simem:s7], [sflag:s8] =	dma.local @!p0 [hbm:s6], $0xF7A  }
0x23: {  	s9 =	sor.u32 $0xD0000000, s2;
	s6 =	simm.s32 $0x108;
	_ =	swait.ge @!p0 [sflag:s8], $0x0  }
0x24: {  	s3 =	sadd.s32 $0x88, s3;
	s6 =	simm.s32 @!p1 $0x1082;
	[sflag:s4] =	ssyncset.s32 $0xFFFFF086  }
0x25: {  	[simem:s6], [sflag:s4] =	dma.local [hbm:s3], $0xF7A  }
0x26: {  	[smem:$0x3F9B] =	sst s1;
	(tag) =	ssettag s2;
	_ =	strace s9  }
0x27: {  	s1 =	sld [smem:$0x3FAB]  }
0x28: {  	s2 =	sld [smem:$0x3FAC]  }
0x29: {  	s4 =	sld [smem:$0x3FAE]  }
0x2a: {  	p0 =	seq.s32 s5, $0x0;
	s5 =	sld [smem:$0x3FAF]  }
0x2b: {  	s6 =	sld [smem:$0x3FB0]  }
0x2c: {  	s7 =	sld [smem:$0x3FB1]  }
0x2d: {  	s3 =	simm.s32 $0x108;
	s8 =	sld [smem:$0x3FB2]  }
0x2e: {  	s3 =	simm.s32 @!p0 $0x1082;
	s9 =	sld [smem:$0x3FB3]  }
0x2f: {  	lr =	sadd.s32 s0, s3;
	s0 =	sld [smem:$0x3FAA]  }
0x30: {  	s3 =	sld [smem:$0x3FAD]  }
0x31: {  	[smem:$0x3FB6] =	sst s10  }
0x32: {  	s10 =	sld [smem:$0x3FB4];
	_ =	sdelay $0x3  }
0x33: {  	p0 =	seq.s32 s10, $0x1;
	s10 =	sld [smem:$0x3FB6];
	_ =	sdelay $0x3  }
0x34: {  	[smem:$0x3FB6] =	sst s10  }
0x35: {  	s10 =	sld [smem:$0x3FB5];
	_ =	sdelay $0x3  }
0x36: {  	p1 =	seq.s32 s10, $0x1;
	s10 =	sld [smem:$0x3FB6];
	_ =	sdelay $0x3  }
0x37: {  	[smem:$0x3FB6] =	sst s10  }
0x38: {  	s10 =	sld [smem:$0x3FB7]  }
0x39: {  	_ = 	snop;
	(pc) =	sbr.ind lr, $3  }
0x3a: {  	_ = 	snop  }
0x3b: {  	_ = 	snop  }
0x3c: {  	p2 =	seq.s32 s10, $0x1;
	s10 =	sld [smem:$0x3FB6]  }
0x3d: {  	_ =	shalt  }
0x3e: {  	_ =	shalt  }
0x3f: {  	_ =	shalt  }
0x40: {  	_ =	shalt  }
0x41: {  	_ =	shalt  }
0x42: {  	_ =	shalt  }
0x43: {  	_ =	shalt  }
0x44: {  	_ =	shalt  }
0x45: {  	_ =	shalt  }
0x46: {  	_ =	shalt  }
0x47: {  	_ =	shalt  }
0x48: {  	_ =	shalt  }
0x49: {  	_ =	shalt  }
0x4a: {  	_ =	shalt  }
0x4b: {  	_ =	shalt  }
0x4c: {  	_ =	shalt  }
0x4d: {  	_ =	shalt  }
0x4e: {  	_ =	shalt  }
0x4f: {  	_ =	shalt  }
0x50: {  	_ =	shalt  }
0x51: {  	_ =	shalt  }
0x52: {  	_ =	shalt  }
0x53: {  	_ =	shalt  }
0x54: {  	_ =	shalt  }
0x55: {  	_ =	shalt  }
0x56: {  	_ =	shalt  }
0x57: {  	_ =	shalt  }
0x58: {  	_ =	shalt  }
0x59: {  	_ =	shalt  }
0x5a: {  	_ =	shalt  }
0x5b: {  	_ =	shalt  }
0x5c: {  	_ =	shalt  }
0x5d: {  	_ =	shalt  }
0x5e: {  	_ =	shalt  }
0x5f: {  	_ =	shalt  }
0x60: {  	_ =	shalt  }
0x61: {  	_ =	shalt  }
0x62: {  	_ =	shalt  }
0x63: {  	_ =	shalt  }
0x64: {  	_ =	shalt  }
0x65: {  	_ =	shalt  }
0x66: {  	_ =	shalt  }
0x67: {  	_ =	shalt  }
0x68: {  	_ =	shalt  }
0x69: {  	_ =	shalt  }
0x6a: {  	_ =	shalt  }
0x6b: {  	_ =	shalt  }
0x6c: {  	_ =	shalt  }
0x6d: {  	_ =	shalt  }
0x6e: {  	_ =	shalt  }
0x6f: {  	_ =	shalt  }
0x70: {  	_ =	shalt  }
0x71: {  	_ =	shalt  }
0x72: {  	_ =	shalt  }
0x73: {  	_ =	shalt  }
0x74: {  	_ =	shalt  }
0x75: {  	_ =	shalt  }
0x76: {  	_ =	shalt  }
0x77: {  	_ =	shalt  }
0x78: {  	_ =	shalt  }
0x79: {  	_ =	shalt  }
0x7a: {  	_ =	shalt  }
0x7b: {  	_ =	shalt  }
0x7c: {  	_ =	shalt  }
0x7d: {  	_ =	shalt  }
0x7e: {  	_ =	shalt  }
0x7f: {  	_ =	shalt  }
0x80: {  	_ =	shalt  }
0x81: {  	_ =	shalt  }
0x82: {  	_ =	shalt  }
0x83: {  	_ =	shalt  }
0x84: {  	_ =	shalt  }
0x85: {  	_ =	shalt  }
0x86: {  	_ =	shalt  }
0x87: {  	_ =	shalt  }
.Lfunc_end0:
.L_simem_size_0:
called_computation_lowered:
.L_overlay_start_0:
0x88: {  	s2 =	sld [smem:$0x3FD9]  }
0x89: {  	s3 =	sld [smem:$0x3FFE];
	_ =	sdelay $0x1  }
0x8a: {  	s1 =	srdreg.scid  }
0x8b: {  	s0 =	sand.u32 $0x1, s1  }
0x8c: {  	s17 =	sshll.u32 s0, $0xA;
	s2 =	sadd.s32 s3, s2  }
0x8d: {  	s2 =	sadd.s32 s2, s17  }
0x8e: {  	[smem:$0x3FC2] =	sst s2  }
0x8f: {  	_ = 	snop  }
0x90: {  	s2 =	sld [smem:$0x3FC7]  }
0x91: {  	s18 =	sld [smem:$0x3FC6]  }
0x92: {  	s4 =	sld [smem:$0x3FC5]  }
0x93: {  	s5 =	sld [smem:$0x3FC4]  }
0x94: {  	s6 =	sld [smem:$0x3FD0];
	(tm) =	ssettm $0x1  }
0x95: {  	s7 =	sld [smem:$0x3FFB];
	_ =	sdelay $0x3  }
0x96: {  	_ =	strace s7  }
0x97: {  	s7 =	sld [smem:$0x3FFC];
	_ =	sdelay $0x3  }
0x98: {  	_ =	strace s7  }
0x99: {  	s7 =	sld [smem:$0x3FFD];
	_ =	sdelay $0x3  }
0x9a: {  	_ =	strace s7  }
0x9b: {  	_ =	strace $0x8FFFFFFF  }
0x9c: {  	s19 =	sld [smem:$0x3FDB];
	_ =	sdelay $0x1  }
0x9d: {  	s8 =	simm.s32 $_scs_section_size  }
0x9e: {  	s9 =	simm.s32 $_size__tile_overlayer_lowered;
	s10 =	simm.s32 $_tile_overlayer_lowered  }
0x9f: {  	s22 =	simm.s32 $0x1BFF;
	s21 =	sshll.u32 s10, $0x1;
	s7 =	sadd.s32 s8, s19  }
0xa0: {  	s11 =	simm.s32 $0x0;
	s20 =	sshll.u32 s9, $0x1;
	s9 =	sadd.s32 s21, s7  }
0xa1: {  	[timem:s11], [sflag:s22] =	dma.local [hbm:s9], s20  }
0xa2: {  	_ =	swait.ge [sflag:s22], s20  }
0xa3: {  	s8 =	ssub.s32 $0x0, s20;
	[sflag:s22] =	ssyncset.done $0x0  }
0xa4: {  	[sflag:s22] =	ssyncadd.s32 s8;
	_ =	sdelay $0x1  }
0xa5: {  	s23 =	simm.s32 $0x1B8B  }
0xa6: {  	_ =	swait.ge [sflag:s23], $0x1  }
0xa7: {  	[sflag:s23] =	ssyncset.done $0x0  }
0xa8: {  	s25 =	simm.s32 $0x1B8E;
	s24 =	sld [smem:$0x3FFE];
	[sflag:s23] =	ssyncadd.s32 $0xFFFFFFFF  }
0xa9: {  	s26 =	simm.s32 $execute0_lowered;
	[smem:$0x3FD2] =	sst s25  }
0xaa: {  	s9 =	sshll.u32 s26, $0x1;
	_ =	strace $0x80000046;
	[dreg:$0x1] =	wrdreg $0xFFFFFFFF  }
0xab: {  	s28 =	simm.s32 $_size_execute0_lowered;
	s7 =	sadd.s32 s7, s9;
	[dreg:$0x0] =	wrdreg $0x0  }
0xac: {  	s9 =	sshll.u32 s28, $0x1;
	[dreg:$0x2] =	wrdreg s7  }
0xad: {  	[dreg:$0x3] =	wrdreg s9  }
0xae: {  	[dreg:$0x4] =	wrdreg $0xC0  }
0xaf: {  	_ =	task [dreg:s11], $0x5FFFF  }
0xb0: {  	[dreg:$0x1] =	wrdreg $0xFFFFFFFF  }
0xb1: {  	[dreg:$0x0] =	wrdreg $0x60  }
0xb2: {  	[dreg:$0x2] =	wrdreg s24  }
0xb3: {  	[dreg:$0x3] =	wrdreg s2  }
0xb4: {  	[dreg:$0x4] =	wrdreg s18  }
0xb5: {  	[dreg:$0x5] =	wrdreg s4  }
0xb6: {  	[dreg:$0x6] =	wrdreg s5  }
0xb7: {  	[dreg:$0x7] =	wrdreg s6  }
0xb8: {  	[dreg:$0x8] =	wrdreg $0x9  }
0xb9: {  	_ =	task.clear_ibuf [dreg:s11], $0x9FFFF;
	_ =	strace $0x90000046  }
0xba: {  	s29 =	simm.s32 $0x9;
	_ =	strace $0x80000048  }
0xbb: {  	_ =	swait.ge [sflag:s29], $0x1  }
0xbc: {  	[sflag:s29] =	ssyncadd.s32 $0xFFFFFFFF  }
0xbd: {  	_ =	strace $0x90000048  }
0xbe: {  	_ =	sfence  }
0xbf: {  	s30 =	sld [smem:$0x0];
	_ =	sdelay $0x2  }
0xc0: {  	s31 =	sshll.u32 s1, $0xD;
	s1 =	sshrl.u32 s1, $0x2  }
0xc1: {  	s3 =	sand.u32 $0x4000, s31;
	s1 =	sadd.s32 s1, s30  }
0xc2: {  	s0 =	sor.u32 s3, s0;
	s1 =	sshll.u32 s1, $0x11  }
0xc3: {  	s0 =	sor.u32 s1, s0  }
0xc4: {  	s0 =	sadd.s32 $0x8F2B, s0  }
0xc5: {  	[sflag:s0] =	ssyncadd.remote.s32 $0x1  }
0xc6: {  	_ =	sfence.sel $0xFFFF  }
0xc7: {  	[dreg:$0x0] =	wrdreg $0xFFFFFFFF;
	(pc) =	sbr.abs _section_cstart, $3  }
0xc8: {  	[dreg:$0x1] =	wrdreg $0xFFFFFFFF  }
0xc9: {  	_ =	task.clear_ibuf [dreg:s11], $0x2FFFF;
	_ =	strace $0x9FFFFFFF  }
0xca: {  	(tm) =	ssettm $0x7FFFFFFF  }
0xcb: {  	_ =	shalt  }
tec
execute0_lowered:
.L_overlay_start_1:
0x0: {  	(tag) =	ssettag $0x1  }
0x1: {  	s0 =	rddreg [dreg:$0x0]  }
0x2: {  	s1 =	rddreg [dreg:$0x1]  }
0x3: {  	s2 =	rddreg [dreg:$0x2]  }
0x4: {  	s3 =	rddreg [dreg:$0x3]  }
0x5: {  	s6 =	rddreg [dreg:$0x5];
	s7 =	simm.s32 $0x0  }
0x6: {  	s4 =	srdreg.scid;
	s5 =	stileid.u32;
	s21 =	simm.s32 $0x3  }
0x7: {  	s22 =	simm.s32 $0x200;
	s25 =	simm.s32 $0x80;
	s31 =	simm.s32 $0x2  }
0x8: {  	s19 =	simm.s32 $0x14400;
	s20 =	simm.s32 $0xC400;
	s28 =	simm.s32 $0x4  }
0x9: {  	s29 =	simm.s32 $0x6;
	s4 =	sand.u32 $0x1, s4;
	s5 =	sshll.u32 s5, $0x1  }
0xa: {  	s30 =	simm.s32 $0x0;
	[smem:$0x7FF] =	sst s7;
	s5 =	sor.u32 s4, s5  }
0xb: {  	s8 =	sadd.s32 $0x400, s0;
	s0 =	sadd.s32 $0x64400, s0;
	s9 =	smul.u32 $0x3200, s5  }
0xc: {  	_ =	strace $0x80000047;
	s4 =	ssub.s32 $0x2, s4;
	s14 =	smul.u32 $0xC8, s5  }
0xd: {  	[dreg:$0x7] =	wrdreg s0;
	s26 =	sshrl.u32 s4, $0x1;
	s11 =	smul.u32 $0x320000, s5  }
0xe: {  	s5 =	simm.s32 $0x10400;
	s0 =	ssub.s32 s4, s26;
	s26 =	simm.s32 $0x400  }
0xf: {  	s4 =	simm.s32 $0x300;
	s10 =	sadd.s32 s8, s9;
	s13 =	sor.u32 $0x2, s14  }
0x10: {  	s14 =	sor.u32 $0x3, s14;
	s15 =	sor.u32 $0x4000, s11;
	s0 =	smax.u32 s0, $0x1  }
0x11: {  	s12 =	sadd.s32 $0x40, s10;
	[dreg:$0x8] =	wrdreg s0;
	s0 =	simm.s32 $0x280  }
.LBB2_1:
0x12: {  	s9 =	rddreg [dreg:$0x7];
	s16 =	simm.s32 $0x18400;
	s24 =	simm.s32 $0x7  }
0x13: {  	[tilespmem:s16], [sflag:$0x7] =	stream.linear.gather [hbm4b:s9+s7], $0x80, $0x38;
	[tilespmem:$0x18880] =	vst v63  }
0x14: {  	_ =	swait.ge [sflag:s24], $0x80  }
0x15: {  	[sflag:s24] =	ssyncset.done $0x0  }
0x16: {  	[sflag:s24] =	ssyncadd.s32 $0xFFFFFF80  }
0x17: {  	s17 =	simm.s32 $0x8;
	s18 =	simm.s32 $0x18480;
	s9 =	rddreg [dreg:$0x4]  }
0x18: {  	[tilespmem:s18], [sflag:$0x3] =	stream.indirect.gather [hbm4b:s9+s17], $0x80, s16, s17, $0xb8;
	[tilespmem:$0x18880] =	vst v63  }
0x19: {  	_ =	swait.ge [sflag:s21], $0x400  }
0x1a: {  	[sflag:s21] =	ssyncset.done $0x0  }
0x1b: {  	[sflag:s21] =	ssyncadd.s32 $0xFFFFFC00  }
0x1c: {  	v0 =	vld [tilespmem:$0x18480]  }
0x1d: {  	v1 =	vld [tilespmem:$0x18490]  }
0x1e: {  	v2 =	vld [tilespmem:$0x184A0]  }
0x1f: {  	v3 =	vld [tilespmem:$0x184B0]  }
0x20: {  	v4 =	vld [tilespmem:$0x184C0]  }
0x21: {  	v5 =	vld [tilespmem:$0x184D0]  }
0x22: {  	s9 =	simm.s32 $0x320000;
	v6 =	vld [tilespmem:$0x184E0]  }
0x23: {  	v7 =	vld [tilespmem:$0x184F0];
	[tilespmem:s7], [sflag:$0x1] =	stream.strided.gather [hbm4b:s10+s22], $0x0, s9, s22, $0x38  }
0x24: {  	s17 =	simm.s32 $0x1  }
0x25: {  	[tilespmem:s7], [sflag:$0x1] =	stream.linear.gather [hbm4b:s10+s7], $0x180, $0x38;
	[tilespmem:$0x18880] =	vst v63  }
0x26: {  	_ =	swait.ge [sflag:s17], $0x180  }
0x27: {  	[sflag:s17] =	ssyncset.done $0x0  }
0x28: {  	[sflag:s17] =	ssyncadd.s32 $0xFFFFFE80  }
0x29: {  	[tilespmem:s26], [sflag:$0x3] =	stream.indirect.gather [hbm4b:s1+s25], $0x80, s7, s25, $0xb8;
	[tilespmem:$0x18880] =	vst v63  }
0x2a: {  	s18 =	simm.s32 $0x4400  }
0x2b: {  	[tilespmem:s18], [sflag:$0x3] =	stream.indirect.gather [hbm4b:s2+s25], $0x80, s25, s25, $0xb8;
	[tilespmem:$0x18880] =	vst v63  }
0x2c: {  	s23 =	simm.s32 $0x100;
	s24 =	simm.s32 $0x8400  }
0x2d: {  	[tilespmem:s24], [sflag:$0x3] =	stream.indirect.gather [hbm4b:s3+s25], $0x80, s23, s25, $0xb8;
	[tilespmem:$0x18880] =	vst v63  }
0x2e: {  	_ = 	snop  }
0x2f: {  	[tilespmem:s22], [sflag:$0x2] =	stream.strided.gather [hbm4b:s12+s22], $0x0, s9, s22, $0x38;
	[tilespmem:$0x18880] =	vst v63  }
0x30: {  	s17 =	simm.s32 $0x0  }
0x31: {  	[tilespmem:s22], [sflag:$0x2] =	stream.linear.gather [hbm4b:s12+s7], $0x180, $0x38;
	[tilespmem:$0x18880] =	vst v63  }
.LBB2_2:
0x32: {  	_ =	swait.ge [sflag:s31], $0x180  }
0x33: {  	[sflag:s31] =	ssyncset.done $0x0  }
0x34: {  	p0 =	seq.s32 s17, $0x0;
	[sflag:s31] =	ssyncadd.s32 $0xFFFFFE80  }
0x35: {  	[tilespmem:s5], [sflag:$0x4] =	stream.indirect.gather [hbm4b:s2+s25], $0x80, s0, s25, $0xb8;
	[tilespmem:$0x18880] =	vst v63  }
0x36: {  	s9 =	simm.s32 @!p0 $0x6  }
0x37: {  	[tilespmem:s19], [sflag:$0x4] =	stream.indirect.gather [hbm4b:s3+s25], $0x80, s4, s25, $0xb8;
	[tilespmem:$0x18880] =	vst v63  }
0x38: {  	_ =	swait.ge @!p0 [sflag:s9], $0x4000  }
0x39: {  	[sflag:s9] =	ssyncset.done @!p0 $0x0  }
0x3a: {  	[sflag:s9] =	ssyncadd.s32 @!p0 $0xFFFFC000  }
0x3b: {  	[tilespmem:s20], [sflag:$0x4] =	stream.indirect.gather [hbm4b:s1+s25], $0x80, s22, s25, $0xb8;
	[tilespmem:$0x18880] =	vst v63  }
0x3c: {  	_ =	swait.ge [sflag:s21], $0x4000  }
0x3d: {  	[sflag:s21] =	ssyncset.done $0x0  }
0x3e: {  	[sflag:s21] =	ssyncadd.s32 $0xFFFFC000  }
0x3f: {  	_ =	swait.ge [sflag:s21], $0x4000  }
0x40: {  	s23 =	sshll.u32 s17, $0x1;
	p0 =	seq.s32 s17, $0x63;
	[sflag:s21] =	ssyncset.done $0x0  }
0x41: {  	s9 =	sadd.s32 @!p0 s23, s13;
	[sflag:s21] =	ssyncadd.s32 $0xFFFFC000  }
0x42: {  	s16 =	simm.s32 @!p0 $0x200;
	s9 =	sshll.u32 @!p0 s9, $0x6;
	_ =	swait.ge [sflag:s21], $0x4000  }
0x43: {  	s18 =	simm.s32 @!p0 $0x320000;
	s9 =	sand.u32 @!p0 $0x1FFFFF80, s9;
	[sflag:s21] =	ssyncset.done $0x0  }
0x44: {  	s24 =	simm.s32 @!p0 $0x0;
	s9 =	sadd.s32 @!p0 s8, s9;
	[sflag:s21] =	ssyncadd.s32 $0xFFFFC000  }
0x45: {  	[tilespmem:s24], [sflag:$0x1] =	stream.strided.gather @!p0 [hbm4b:s9+s16], $0x0, s18, s16, $0x38;
	[tilespmem:$0x18880] =	vst v63  }
0x46: {  	s16 =	simm.s32 $0x400  }
0x47: {  	[tilespmem:s24], [sflag:$0x1] =	stream.linear.gather @!p0 [hbm4b:s9+s24], $0x180, $0x38;
	[tilespmem:$0x18880] =	vst v63  }
0x48: {  	v8 =	vld [tilespmem:s16+$0x1F0]  }
0x49: {  	v9 =	vld [tilespmem:s16+$0x41F0]  }
0x4a: {  	v11 =	vld [tilespmem:s16+$0x4000]  }
0x4b: {  	v10 =	vld [tilespmem:s16+$0x81F0]  }
0x4c: {  	v12 =	vld [tilespmem:s16+$0x10]  }
0x4d: {  	v13 =	vld [tilespmem:s16+$0x4010]  }
0x4e: {  	v14 =	vld [tilespmem:s16+$0x20]  }
0x4f: {  	v15 =	vld [tilespmem:s16+$0x4020]  }
0x50: {  	v16 =	vld [tilespmem:s16+$0x30]  }
0x51: {  	v17 =	vld [tilespmem:s16+$0x4030]  }
0x52: {  	v18 =	vld [tilespmem:s16+$0x40]  }
0x53: {  	v19 =	vld [tilespmem:s16+$0x4040]  }
0x54: {  	v20 =	vld [tilespmem:s16+$0x50]  }
0x55: {  	v21 =	vld [tilespmem:s16+$0x4050]  }
0x56: {  	v22 =	vld [tilespmem:s16+$0x60]  }
0x57: {  	v23 =	vld [tilespmem:s16+$0x4060]  }
0x58: {  	v24 =	vld [tilespmem:s16+$0x70]  }
0x59: {  	v25 =	vld [tilespmem:s16+$0x4070]  }
0x5a: {  	v26 =	vld [tilespmem:s16+$0x80]  }
0x5b: {  	v27 =	vld [tilespmem:s16+$0x4080]  }
0x5c: {  	v28 =	vld [tilespmem:s16+$0x90]  }
0x5d: {  	v29 =	vld [tilespmem:s16+$0x4090]  }
0x5e: {  	v30 =	vld [tilespmem:s16+$0xA0]  }
0x5f: {  	v31 =	vld [tilespmem:s16+$0x40A0]  }
0x60: {  	v32 =	vld [tilespmem:s16+$0xB0]  }
0x61: {  	v33 =	vld [tilespmem:s16+$0x40B0]  }
0x62: {  	v34 =	vld [tilespmem:s16+$0xC0]  }
0x63: {  	v35 =	vld [tilespmem:s16+$0x40C0]  }
0x64: {  	v36 =	vld [tilespmem:s16+$0xD0]  }
0x65: {  	v37 =	vld [tilespmem:s16+$0x40D0]  }
0x66: {  	v38 =	vld [tilespmem:s16+$0xE0]  }
0x67: {  	v39 =	vld [tilespmem:s16+$0x40E0]  }
0x68: {  	v40 =	vld [tilespmem:s16+$0xF0]  }
0x69: {  	v41 =	vld [tilespmem:s16+$0x40F0]  }
0x6a: {  	v42 =	vld [tilespmem:s16+$0x100]  }
0x6b: {  	v43 =	vld [tilespmem:s16+$0x4100]  }
0x6c: {  	v44 =	vld [tilespmem:s16+$0x110]  }
0x6d: {  	v45 =	vld [tilespmem:s16+$0x4110]  }
0x6e: {  	v46 =	vld [tilespmem:s16+$0x120]  }
0x6f: {  	v47 =	vld [tilespmem:s16+$0x4120]  }
0x70: {  	v48 =	vld [tilespmem:s16+$0x130]  }
0x71: {  	v49 =	vld [tilespmem:s16+$0x4130]  }
0x72: {  	v50 =	vld [tilespmem:s16+$0x140]  }
0x73: {  	v51 =	vld [tilespmem:s16+$0x150]  }
0x74: {  	v52 =	vld [tilespmem:s16+$0x160]  }
0x75: {  	v53 =	vld [tilespmem:s16+$0x4160]  }
0x76: {  	v54 =	vld [tilespmem:s16+$0x170]  }
0x77: {  	v55 =	vld [tilespmem:s16+$0x180]  }
0x78: {  	v56 =	vld [tilespmem:s16+$0x4180]  }
0x79: {  	v57 =	vld [tilespmem:s16+$0x190]  }
0x7a: {  	v58 =	vld [tilespmem:s16+$0x4190]  }
0x7b: {  	v59 =	vld [tilespmem:s16+$0x1A0]  }
0x7c: {  	v60 =	vld [tilespmem:s16+$0x41A0]  }
0x7d: {  	v61 =	vld [tilespmem:s16+$0x0]  }
0x7e: {  	v62 =	vld [tilespmem:s16+$0x8000];
	v8 =	vadd.f32 v9, v8  }
0x7f: {  	v9 =	vld [tilespmem:s16+$0x4140];
	v13 =	vadd.f32 v13, v12;
	v14 =	vadd.f32 v15, v14  }
0x80: {  	v15 =	vld [tilespmem:s16+$0x1B0];
	v16 =	vadd.f32 v17, v16;
	v17 =	vadd.f32 v19, v18  }
0x81: {  	v18 =	vld [tilespmem:s16+$0x41B0];
	v19 =	vadd.f32 v21, v20;
	v20 =	vadd.f32 v23, v22  }
0x82: {  	v21 =	vld [tilespmem:s16+$0x1C0];
	v22 =	vadd.f32 v25, v24;
	v23 =	vadd.f32 v27, v26  }
0x83: {  	v24 =	vld [tilespmem:s16+$0x41C0];
	v25 =	vadd.f32 v29, v28;
	v26 =	vadd.f32 v31, v30  }
0x84: {  	v27 =	vld [tilespmem:s16+$0x1D0];
	v28 =	vadd.f32 v33, v32;
	v29 =	vadd.f32 v35, v34  }
0x85: {  	v30 =	vld [tilespmem:s16+$0x41D0];
	v31 =	vadd.f32 v37, v36;
	v32 =	vadd.f32 v39, v38  }
0x86: {  	v33 =	vld [tilespmem:s16+$0x1E0];
	v34 =	vadd.f32 v41, v40;
	v35 =	vadd.f32 v43, v42  }
0x87: {  	v37 =	vadd.f32 v45, v44;
	v8 =	vadd.f32 v10, v8;
	v10 =	vld [tilespmem:s16+$0x4150]  }
0x88: {  	v36 =	vld [tilespmem:s16+$0x41E0];
	v38 =	vadd.f32 v47, v46;
	v40 =	vadd.f32 v49, v48  }
0x89: {  	v52 =	vadd.f32 v53, v52;
	v53 =	vld [tilespmem:s16+$0x8010];
	v55 =	vadd.f32 v56, v55  }
0x8a: {  	v56 =	vld [tilespmem:s16+$0x8020];
	v57 =	vadd.f32 v58, v57;
	v12 =	vadd.f32 v60, v59  }
0x8b: {  	v58 =	vld [tilespmem:s16+$0x8030];
	v8 =	vadd.f32 v8, v7;
	v41 =	vadd.f32 v9, v50  }
0x8c: {  	v59 =	vld [tilespmem:s16+$0x8060];
	v9 =	vadd.f32 v30, v27;
	v63 =	vadd.f32 v10, v51  }
0x8d: {  	v10 =	vadd.f32 v18, v15;
	v15 =	vadd.f32 v11, v61;
	v18 =	vld [tilespmem:s16+$0x8040]  }
0x8e: {  	v13 =	vadd.f32 v53, v13;
	v11 =	vadd.f32 v24, v21;
	v21 =	vld [tilespmem:s16+$0x8050]  }
0x8f: {  	v14 =	vadd.f32 v56, v14;
	[tilespmem:s16+$0x1F0] =	vst v8;
	v8 =	vld [tilespmem:s16+$0x4170];
	v15 =	vadd.f32 v62, v15  }
0x90: {  	v60 =	vld [tilespmem:s16+$0x8070];
	v16 =	vadd.f32 v58, v16;
	v13 =	vadd.f32 v13, v1  }
0x91: {  	v61 =	vld [tilespmem:s16+$0x8080];
	v14 =	vadd.f32 v14, v2;
	v15 =	vadd.f32 v15, v0  }
0x92: {  	[tilespmem:s16+$0x10] =	vst v13;
	v13 =	vadd.f32 v16, v3;
	v17 =	vadd.f32 v18, v17;
	v18 =	vld [tilespmem:s16+$0x8090]  }
0x93: {  	v16 =	vadd.f32 v59, v20;
	[tilespmem:s16+$0x0] =	vst v15;
	v15 =	vadd.f32 v21, v19;
	v19 =	vld [tilespmem:s16+$0x80A0]  }
0x94: {  	v20 =	vld [tilespmem:s16+$0x80B0];
	v54 =	vadd.f32 v8, v54;
	v8 =	vadd.f32 v36, v33  }
0x95: {  	[tilespmem:s16+$0x20] =	vst v14;
	v21 =	vld [tilespmem:s16+$0x80C0];
	v14 =	vadd.f32 v17, v4;
	v17 =	vadd.f32 v60, v22  }
0x96: {  	[tilespmem:s16+$0x30] =	vst v13;
	v22 =	vld [tilespmem:s16+$0x80D0];
	v13 =	vadd.f32 v15, v5;
	v15 =	vadd.f32 v61, v23  }
0x97: {  	[tilespmem:s16+$0x40] =	vst v14;
	v14 =	vadd.f32 v16, v6;
	v16 =	vadd.f32 v18, v25;
	v18 =	vld [tilespmem:s16+$0x80E0]  }
0x98: {  	[tilespmem:s16+$0x50] =	vst v13;
	v13 =	vadd.f32 v17, v7;
	v17 =	vadd.f32 v19, v26;
	v19 =	vld [tilespmem:s16+$0x80F0]  }
0x99: {  	[tilespmem:s16+$0x60] =	vst v14;
	v14 =	vadd.f32 v15, v0;
	v15 =	vadd.f32 v20, v28;
	v20 =	vld [tilespmem:s16+$0x8100]  }
0x9a: {  	[tilespmem:s16+$0x70] =	vst v13;
	v13 =	vadd.f32 v16, v1;
	v16 =	vadd.f32 v21, v29;
	v21 =	vld [tilespmem:s16+$0x8110]  }
0x9b: {  	[tilespmem:s16+$0x80] =	vst v14;
	v14 =	vadd.f32 v17, v2;
	v17 =	vadd.f32 v22, v31;
	v22 =	vld [tilespmem:s16+$0x8120]  }
0x9c: {  	[tilespmem:s16+$0x90] =	vst v13;
	v13 =	vadd.f32 v15, v3;
	v15 =	vadd.f32 v18, v32;
	v18 =	vld [tilespmem:s16+$0x8130]  }
0x9d: {  	[tilespmem:s16+$0xA0] =	vst v14;
	v14 =	vadd.f32 v16, v4;
	v16 =	vadd.f32 v19, v34;
	v19 =	vld [tilespmem:s16+$0x8140]  }
0x9e: {  	[tilespmem:s16+$0xB0] =	vst v13;
	v13 =	vadd.f32 v17, v5;
	v17 =	vadd.f32 v20, v35;
	v20 =	vld [tilespmem:s16+$0x8150]  }
0x9f: {  	[tilespmem:s16+$0xC0] =	vst v14;
	v14 =	vadd.f32 v15, v6;
	v15 =	vadd.f32 v21, v37;
	v21 =	vld [tilespmem:s16+$0x8160]  }
0xa0: {  	[tilespmem:s16+$0xD0] =	vst v13;
	v13 =	vadd.f32 v16, v7;
	v16 =	vadd.f32 v22, v38;
	v22 =	vld [tilespmem:s16+$0x8170]  }
0xa1: {  	v23 =	vld [tilespmem:s16+$0x8180];
	[tilespmem:s16+$0xE0] =	vst v14;
	v14 =	vadd.f32 v17, v0;
	v15 =	vadd.f32 v15, v1  }
0xa2: {  	v62 =	vld [tilespmem:s16+$0x8190];
	v17 =	vadd.f32 v18, v40;
	[tilespmem:s16+$0xF0] =	vst v13;
	v16 =	vadd.f32 v16, v2  }
0xa3: {  	v13 =	vld [tilespmem:s16+$0x81A0];
	v18 =	vadd.f32 v19, v41;
	[tilespmem:s16+$0x100] =	vst v14;
	v19 =	vadd.f32 v20, v63  }
0xa4: {  	[tilespmem:s16+$0x110] =	vst v15;
	v14 =	vld [tilespmem:s16+$0x81B0];
	v17 =	vadd.f32 v17, v3;
	v20 =	vadd.f32 v21, v52  }
0xa5: {  	v15 =	vld [tilespmem:s16+$0x81C0];
	[tilespmem:s16+$0x120] =	vst v16;
	v63 =	vadd.f32 v18, v4;
	v18 =	vadd.f32 v22, v54  }
0xa6: {  	v16 =	vld [tilespmem:s16+$0x81D0];
	v21 =	vadd.f32 v19, v5;
	v19 =	vadd.f32 v23, v55;
	[tilespmem:s16+$0x130] =	vst v17  }
0xa7: {  	s18 =	simm.s32 $0x600;
	s9 =	simm.s32 $0x0;
	v22 =	vadd.f32 v20, v6;
	v20 =	vadd.f32 v62, v57;
	v17 =	vld [tilespmem:s16+$0x81E0];
	[tilespmem:s16+$0x140] =	vst v63  }
.LBB2_3:
0xa8: {  	v23 =	vld [tilespmem:s18+$0x1F0];
	[tilespmem:s16+$0x150] =	vst v21;
	v18 =	vadd.f32 v18, v7;
	v12 =	vadd.f32 v13, v12  }
0xa9: {  	s9 =	sadd.s32 $0x4, s9;
	v19 =	vadd.f32 v19, v0;
	v21 =	vld [tilespmem:s18+$0x41F0];
	[tilespmem:s16+$0x160] =	vst v22;
	v10 =	vadd.f32 v14, v10  }
0xaa: {  	p1 =	slt.u32 s9, $0x7C;
	v14 =	vadd.f32 v20, v1;
	v13 =	vld [tilespmem:s18+$0x4000];
	[tilespmem:s16+$0x170] =	vst v18;
	v11 =	vadd.f32 v15, v11  }
0xab: {  	v12 =	vadd.f32 v12, v2;
	v15 =	vld [tilespmem:s18+$0x81F0];
	[tilespmem:s16+$0x180] =	vst v19;
	v9 =	vadd.f32 v16, v9  }
0xac: {  	v10 =	vadd.f32 v10, v3;
	v16 =	vld [tilespmem:s18+$0x10];
	[tilespmem:s16+$0x190] =	vst v14;
	v8 =	vadd.f32 v17, v8  }
0xad: {  	v11 =	vadd.f32 v11, v4;
	v14 =	vld [tilespmem:s18+$0x4010];
	[tilespmem:s16+$0x1A0] =	vst v12;
	v9 =	vadd.f32 v9, v5  }
0xae: {  	v12 =	vld [tilespmem:s18+$0x20];
	v17 =	vadd.f32 v21, v23;
	[tilespmem:s16+$0x1B0] =	vst v10;
	v8 =	vadd.f32 v8, v6  }
0xaf: {  	v10 =	vld [tilespmem:s18+$0x4020];
	[tilespmem:s16+$0x1C0] =	vst v11  }
0xb0: {  	v11 =	vld [tilespmem:s18+$0x30];
	v15 =	vadd.f32 v15, v17;
	[tilespmem:s16+$0x1D0] =	vst v9  }
0xb1: {  	v9 =	vld [tilespmem:s18+$0x4030];
	[tilespmem:s16+$0x1E0] =	vst v8;
	s16 =	smov.u32 s18  }
0xb2: {  	v14 =	vadd.f32 v14, v16;
	v8 =	vld [tilespmem:s18+$0x40];
	v16 =	vadd.f32 v15, v7  }
0xb3: {  	v17 =	vld [tilespmem:s18+$0x4040]  }
0xb4: {  	v15 =	vadd.f32 v10, v12;
	v10 =	vld [tilespmem:s18+$0x50];
	[tilespmem:s18+$0x1F0] =	vst v16  }
0xb5: {  	v12 =	vld [tilespmem:s18+$0x4050]  }
0xb6: {  	v16 =	vadd.f32 v9, v11;
	v9 =	vld [tilespmem:s18+$0x60]  }
0xb7: {  	v11 =	vld [tilespmem:s18+$0x4060]  }
0xb8: {  	v17 =	vadd.f32 v17, v8;
	v8 =	vld [tilespmem:s18+$0x70]  }
0xb9: {  	v20 =	vld [tilespmem:s18+$0x4070]  }
0xba: {  	v18 =	vadd.f32 v12, v10;
	v10 =	vld [tilespmem:s18+$0x80]  }
0xbb: {  	v12 =	vld [tilespmem:s18+$0x4080]  }
0xbc: {  	v19 =	vadd.f32 v11, v9;
	v9 =	vld [tilespmem:s18+$0x90]  }
0xbd: {  	v11 =	vld [tilespmem:s18+$0x4090]  }
0xbe: {  	v20 =	vadd.f32 v20, v8;
	v8 =	vld [tilespmem:s18+$0xA0]  }
0xbf: {  	v23 =	vld [tilespmem:s18+$0x40A0]  }
0xc0: {  	v21 =	vadd.f32 v12, v10;
	v10 =	vld [tilespmem:s18+$0xB0]  }
0xc1: {  	v12 =	vld [tilespmem:s18+$0x40B0]  }
0xc2: {  	v22 =	vadd.f32 v11, v9;
	v9 =	vld [tilespmem:s18+$0xC0]  }
0xc3: {  	v11 =	vld [tilespmem:s18+$0x40C0]  }
0xc4: {  	v23 =	vadd.f32 v23, v8;
	v8 =	vld [tilespmem:s18+$0xD0]  }
0xc5: {  	v26 =	vld [tilespmem:s18+$0x40D0]  }
0xc6: {  	v24 =	vadd.f32 v12, v10;
	v10 =	vld [tilespmem:s18+$0xE0]  }
0xc7: {  	v12 =	vld [tilespmem:s18+$0x40E0]  }
0xc8: {  	v25 =	vadd.f32 v11, v9;
	v9 =	vld [tilespmem:s18+$0xF0]  }
0xc9: {  	v11 =	vld [tilespmem:s18+$0x40F0]  }
0xca: {  	v26 =	vadd.f32 v26, v8;
	v8 =	vld [tilespmem:s18+$0x100]  }
0xcb: {  	v29 =	vld [tilespmem:s18+$0x4100]  }
0xcc: {  	v27 =	vadd.f32 v12, v10;
	v10 =	vld [tilespmem:s18+$0x110]  }
0xcd: {  	v12 =	vld [tilespmem:s18+$0x4110]  }
0xce: {  	v28 =	vadd.f32 v11, v9;
	v9 =	vld [tilespmem:s18+$0x120]  }
0xcf: {  	v11 =	vld [tilespmem:s18+$0x4120]  }
0xd0: {  	v29 =	vadd.f32 v29, v8;
	v8 =	vld [tilespmem:s18+$0x130]  }
0xd1: {  	v32 =	vld [tilespmem:s18+$0x4130]  }
0xd2: {  	v30 =	vadd.f32 v12, v10;
	v10 =	vld [tilespmem:s18+$0x140]  }
0xd3: {  	v12 =	vld [tilespmem:s18+$0x4140]  }
0xd4: {  	v31 =	vadd.f32 v11, v9;
	v9 =	vld [tilespmem:s18+$0x150]  }
0xd5: {  	v11 =	vld [tilespmem:s18+$0x4150]  }
0xd6: {  	v32 =	vadd.f32 v32, v8;
	v8 =	vld [tilespmem:s18+$0x160]  }
0xd7: {  	v35 =	vld [tilespmem:s18+$0x4160]  }
0xd8: {  	v33 =	vadd.f32 v12, v10;
	v10 =	vld [tilespmem:s18+$0x170]  }
0xd9: {  	v12 =	vld [tilespmem:s18+$0x4170]  }
0xda: {  	v34 =	vadd.f32 v11, v9;
	v9 =	vld [tilespmem:s18+$0x180]  }
0xdb: {  	v11 =	vld [tilespmem:s18+$0x4180]  }
0xdc: {  	v35 =	vadd.f32 v35, v8;
	v8 =	vld [tilespmem:s18+$0x190]  }
0xdd: {  	v38 =	vld [tilespmem:s18+$0x4190]  }
0xde: {  	v36 =	vadd.f32 v12, v10;
	v10 =	vld [tilespmem:s18+$0x1A0]  }
0xdf: {  	v12 =	vld [tilespmem:s18+$0x41A0]  }
0xe0: {  	v37 =	vadd.f32 v11, v9;
	v9 =	vld [tilespmem:s18+$0x1B0]  }
0xe1: {  	v11 =	vld [tilespmem:s18+$0x41B0]  }
0xe2: {  	v38 =	vadd.f32 v38, v8;
	v8 =	vld [tilespmem:s18+$0x1C0]  }
0xe3: {  	v39 =	vld [tilespmem:s18+$0x41C0]  }
0xe4: {  	v12 =	vadd.f32 v12, v10;
	v40 =	vld [tilespmem:s18+$0x1D0]  }
0xe5: {  	v41 =	vld [tilespmem:s18+$0x41D0]  }
0xe6: {  	v10 =	vadd.f32 v11, v9;
	v42 =	vld [tilespmem:s18+$0x1E0]  }
0xe7: {  	v43 =	vld [tilespmem:s18+$0x41E0]  }
0xe8: {  	v44 =	vld [tilespmem:s18+$0x0];
	v11 =	vadd.f32 v39, v8  }
0xe9: {  	v39 =	vld [tilespmem:s18+$0x8000]  }
0xea: {  	v45 =	vld [tilespmem:s18+$0x8010];
	v9 =	vadd.f32 v41, v40  }
0xeb: {  	v40 =	vld [tilespmem:s18+$0x8020]  }
0xec: {  	v41 =	vld [tilespmem:s18+$0x8030];
	v8 =	vadd.f32 v43, v42  }
0xed: {  	v13 =	vadd.f32 v13, v44;
	v42 =	vld [tilespmem:s18+$0x8040]  }
0xee: {  	v43 =	vld [tilespmem:s18+$0x8050]  }
0xef: {  	v13 =	vadd.f32 v39, v13;
	v14 =	vadd.f32 v45, v14;
	v39 =	vld [tilespmem:s18+$0x8060]  }
0xf0: {  	v15 =	vadd.f32 v40, v15;
	v40 =	vld [tilespmem:s18+$0x8070]  }
0xf1: {  	v13 =	vadd.f32 v13, v0;
	v16 =	vadd.f32 v41, v16;
	v41 =	vld [tilespmem:s18+$0x8080]  }
0xf2: {  	v14 =	vadd.f32 v14, v1;
	v17 =	vadd.f32 v42, v17;
	v42 =	vld [tilespmem:s18+$0x8090]  }
0xf3: {  	[tilespmem:s18+$0x0] =	vst v13;
	v13 =	vadd.f32 v15, v2;
	v15 =	vadd.f32 v43, v18;
	v18 =	vld [tilespmem:s18+$0x80A0]  }
0xf4: {  	[tilespmem:s18+$0x10] =	vst v14;
	v14 =	vadd.f32 v16, v3;
	v16 =	vadd.f32 v39, v19;
	v19 =	vld [tilespmem:s18+$0x80B0]  }
0xf5: {  	[tilespmem:s18+$0x20] =	vst v13;
	v13 =	vadd.f32 v17, v4;
	v17 =	vadd.f32 v40, v20;
	v20 =	vld [tilespmem:s18+$0x80C0]  }
0xf6: {  	[tilespmem:s18+$0x30] =	vst v14;
	v14 =	vadd.f32 v15, v5;
	v15 =	vadd.f32 v41, v21;
	v21 =	vld [tilespmem:s18+$0x80D0]  }
0xf7: {  	[tilespmem:s18+$0x40] =	vst v13;
	v13 =	vadd.f32 v16, v6;
	v16 =	vadd.f32 v42, v22;
	v22 =	vld [tilespmem:s18+$0x80E0]  }
0xf8: {  	[tilespmem:s18+$0x50] =	vst v14;
	v14 =	vadd.f32 v17, v7;
	v17 =	vadd.f32 v18, v23;
	v18 =	vld [tilespmem:s18+$0x80F0]  }
0xf9: {  	[tilespmem:s18+$0x60] =	vst v13;
	v13 =	vadd.f32 v15, v0;
	v15 =	vadd.f32 v19, v24;
	v19 =	vld [tilespmem:s18+$0x8100]  }
0xfa: {  	[tilespmem:s18+$0x70] =	vst v14;
	v14 =	vadd.f32 v16, v1;
	v16 =	vadd.f32 v20, v25;
	v20 =	vld [tilespmem:s18+$0x8110]  }
0xfb: {  	[tilespmem:s18+$0x80] =	vst v13;
	v13 =	vadd.f32 v17, v2;
	v17 =	vadd.f32 v21, v26;
	v21 =	vld [tilespmem:s18+$0x8120]  }
0xfc: {  	[tilespmem:s18+$0x90] =	vst v14;
	v14 =	vadd.f32 v15, v3;
	v15 =	vadd.f32 v22, v27;
	v22 =	vld [tilespmem:s18+$0x8130]  }
0xfd: {  	[tilespmem:s18+$0xA0] =	vst v13;
	v13 =	vadd.f32 v16, v4;
	v16 =	vadd.f32 v18, v28;
	v18 =	vld [tilespmem:s18+$0x8140]  }
0xfe: {  	[tilespmem:s18+$0xB0] =	vst v14;
	v14 =	vadd.f32 v17, v5;
	v17 =	vadd.f32 v19, v29;
	v19 =	vld [tilespmem:s18+$0x8150]  }
0xff: {  	[tilespmem:s18+$0xC0] =	vst v13;
	v13 =	vadd.f32 v15, v6;
	v15 =	vadd.f32 v20, v30;
	v20 =	vld [tilespmem:s18+$0x8160]  }
0x100: {  	[tilespmem:s18+$0xD0] =	vst v14;
	v14 =	vadd.f32 v16, v7;
	v16 =	vadd.f32 v21, v31;
	v21 =	vld [tilespmem:s18+$0x8170]  }
0x101: {  	[tilespmem:s18+$0xE0] =	vst v13;
	v13 =	vadd.f32 v17, v0;
	v17 =	vadd.f32 v22, v32;
	v22 =	vld [tilespmem:s18+$0x8180]  }
0x102: {  	[tilespmem:s18+$0xF0] =	vst v14;
	v14 =	vadd.f32 v15, v1;
	v15 =	vadd.f32 v18, v33;
	v23 =	vld [tilespmem:s18+$0x8190]  }
.Ltmp0:
0x103: {  	v16 =	vadd.f32 v16, v2;
	[tilespmem:s18+$0x100] =	vst v13;
	v19 =	vadd.f32 v19, v34;
	v13 =	vld [tilespmem:s18+$0x81A0];
	(pc) =	sbr.rel @p1 .LBB2_3-.Ltmp0, $4  }
0x104: {  	v17 =	vadd.f32 v17, v3;
	[tilespmem:s18+$0x110] =	vst v14;
	v20 =	vadd.f32 v20, v35;
	v14 =	vld [tilespmem:s18+$0x81B0]  }
0x105: {  	v24 =	vadd.f32 v15, v4;
	[tilespmem:s18+$0x120] =	vst v16;
	v18 =	vadd.f32 v21, v36;
	v15 =	vld [tilespmem:s18+$0x81C0]  }
0x106: {  	v21 =	vadd.f32 v19, v5;
	[tilespmem:s18+$0x130] =	vst v17;
	v19 =	vadd.f32 v22, v37;
	v16 =	vld [tilespmem:s18+$0x81D0]  }
0x107: {  	v22 =	vadd.f32 v20, v6;
	s18 =	sadd.s32 $0x200, s18;
	[tilespmem:s16+$0x140] =	vst v24;
	v20 =	vadd.f32 v23, v38;
	v17 =	vld [tilespmem:s16+$0x81E0]  }
0x108: {  	[tilespmem:s16+$0x150] =	vst v21;
	v18 =	vadd.f32 v18, v7  }
0x109: {  	v12 =	vadd.f32 v13, v12;
	v13 =	vadd.f32 v19, v0;
	[tilespmem:s16+$0x160] =	vst v22  }
0x10a: {  	v10 =	vadd.f32 v14, v10;
	v14 =	vadd.f32 v20, v1;
	[tilespmem:s16+$0x170] =	vst v18  }
0x10b: {  	v11 =	vadd.f32 v15, v11;
	[tilespmem:s16+$0x180] =	vst v13;
	v12 =	vadd.f32 v12, v2  }
0x10c: {  	v9 =	vadd.f32 v16, v9;
	[tilespmem:s16+$0x190] =	vst v14;
	v10 =	vadd.f32 v10, v3  }
0x10d: {  	v8 =	vadd.f32 v17, v8;
	[tilespmem:s16+$0x1A0] =	vst v12;
	v11 =	vadd.f32 v11, v4  }
0x10e: {  	s9 =	sshll.u32 s17, $0xF;
	v9 =	vadd.f32 v9, v5;
	[tilespmem:s16+$0x1B0] =	vst v10  }
0x10f: {  	s18 =	sadd.s32 s11, s9;
	v8 =	vadd.f32 v8, v6;
	[tilespmem:s16+$0x1C0] =	vst v11  }
0x110: {  	s18 =	sshrl.u32 s18, $0x3;
	[tilespmem:s16+$0x1D0] =	vst v9  }
0x111: {  	s24 =	sadd.s32 s6, s18;
	[tilespmem:s16+$0x1E0] =	vst v8;
	s16 =	simm.s32 @p0 $0x5  }
0x112: {  	[hbm4b:s24+s7] =	stream.linear.scatter [tilespmem:s26], [sflag:$0x5], $0x4000, $0x38;
	[tilespmem:$0x18880] =	vst v63  }
0x113: {  	_ =	swait.ge @p0 [sflag:s16], $0x4000  }
0x114: {  	[sflag:s16] =	ssyncset.done @p0 $0x0  }
0x115: {  	[sflag:s16] =	ssyncadd.s32 @p0 $0xFFFFC000;
	s16 =	simm.s32 @!p0 $0x1  }
0x116: {  	_ =	swait.ge @!p0 [sflag:s16], $0x180  }
0x117: {  	[sflag:s16] =	ssyncset.done @!p0 $0x0  }
0x118: {  	s18 =	simm.s32 @!p0 $0x4400;
	[sflag:s16] =	ssyncadd.s32 @!p0 $0xFFFFFE80;
	s16 =	simm.s32 @!p0 $0x80  }
0x119: {  	[tilespmem:s18], [sflag:$0x3] =	stream.indirect.gather @!p0 [hbm4b:s2+s16], $0x80, s16, s16, $0xb8;
	[tilespmem:$0x18880] =	vst v63  }
0x11a: {  	s24 =	simm.s32 @!p0 $0x8400;
	s18 =	simm.s32 @!p0 $0x100  }
0x11b: {  	[tilespmem:s24], [sflag:$0x3] =	stream.indirect.gather @!p0 [hbm4b:s3+s16], $0x80, s18, s16, $0xb8;
	[tilespmem:$0x18880] =	vst v63  }
0x11c: {  	s18 =	simm.s32 @!p0 $0x5  }
0x11d: {  	_ =	swait.ge @!p0 [sflag:s18], $0x4000  }
0x11e: {  	[sflag:s18] =	ssyncset.done @!p0 $0x0  }
0x11f: {  	s24 =	simm.s32 @!p0 $0x400;
	[sflag:s18] =	ssyncadd.s32 @!p0 $0xFFFFC000;
	s18 =	simm.s32 @!p0 $0x0  }
0x120: {  	[tilespmem:s24], [sflag:$0x3] =	stream.indirect.gather @!p0 [hbm4b:s1+s16], $0x80, s18, s16, $0xb8;
	[tilespmem:$0x18880] =	vst v63  }
0x121: {  	_ =	swait.ge [sflag:s28], $0x4000  }
0x122: {  	[sflag:s28] =	ssyncset.done $0x0  }
0x123: {  	[sflag:s28] =	ssyncadd.s32 $0xFFFFC000  }
0x124: {  	_ =	swait.ge [sflag:s28], $0x4000  }
0x125: {  	[sflag:s28] =	ssyncset.done $0x0  }
0x126: {  	s16 =	sadd.s32 @!p0 s23, s14;
	[sflag:s28] =	ssyncadd.s32 $0xFFFFC000  }
0x127: {  	s16 =	sshll.u32 @!p0 s16, $0x6;
	_ =	swait.ge [sflag:s28], $0x4000  }
0x128: {  	s23 =	simm.s32 @!p0 $0x320000;
	s16 =	sand.u32 @!p0 $0x1FFFFFC0, s16;
	[sflag:s28] =	ssyncset.done $0x0  }
0x129: {  	s24 =	simm.s32 @!p0 $0x200;
	s16 =	sadd.s32 @!p0 s8, s16;
	[sflag:s28] =	ssyncadd.s32 $0xFFFFC000  }
0x12a: {  	[tilespmem:s24], [sflag:$0x2] =	stream.strided.gather @!p0 [hbm4b:s16+s24], $0x0, s23, s24, $0x38;
	[tilespmem:$0x18880] =	vst v63  }
0x12b: {  	_ = 	snop  }
0x12c: {  	[tilespmem:s24], [sflag:$0x2] =	stream.linear.gather @!p0 [hbm4b:s16+s18], $0x180, $0x38;
	[tilespmem:$0x18880] =	vst v63  }
0x12d: {  	s16 =	simm.s32 $0xC400  }
0x12e: {  	v8 =	vld [tilespmem:s16+$0x1F0]  }
0x12f: {  	v9 =	vld [tilespmem:s16+$0x41F0]  }
0x130: {  	v11 =	vld [tilespmem:s16+$0x4000]  }
0x131: {  	v10 =	vld [tilespmem:s16+$0x81F0]  }
0x132: {  	v12 =	vld [tilespmem:s16+$0x10]  }
0x133: {  	v13 =	vld [tilespmem:s16+$0x4010]  }
0x134: {  	v14 =	vld [tilespmem:s16+$0x20]  }
0x135: {  	v15 =	vld [tilespmem:s16+$0x4020]  }
0x136: {  	v16 =	vld [tilespmem:s16+$0x30]  }
0x137: {  	v17 =	vld [tilespmem:s16+$0x4030]  }
0x138: {  	v18 =	vld [tilespmem:s16+$0x40]  }
0x139: {  	v19 =	vld [tilespmem:s16+$0x4040]  }
0x13a: {  	v20 =	vld [tilespmem:s16+$0x50]  }
0x13b: {  	v21 =	vld [tilespmem:s16+$0x4050]  }
0x13c: {  	v22 =	vld [tilespmem:s16+$0x60]  }
0x13d: {  	v23 =	vld [tilespmem:s16+$0x4060]  }
0x13e: {  	v24 =	vld [tilespmem:s16+$0x70]  }
0x13f: {  	v25 =	vld [tilespmem:s16+$0x4070]  }
0x140: {  	v26 =	vld [tilespmem:s16+$0x80]  }
0x141: {  	v27 =	vld [tilespmem:s16+$0x4080]  }
0x142: {  	v28 =	vld [tilespmem:s16+$0x90]  }
0x143: {  	v29 =	vld [tilespmem:s16+$0x4090]  }
0x144: {  	v30 =	vld [tilespmem:s16+$0xA0]  }
0x145: {  	v31 =	vld [tilespmem:s16+$0x40A0]  }
0x146: {  	v32 =	vld [tilespmem:s16+$0xB0]  }
0x147: {  	v33 =	vld [tilespmem:s16+$0x40B0]  }
0x148: {  	v34 =	vld [tilespmem:s16+$0xC0]  }
0x149: {  	v35 =	vld [tilespmem:s16+$0x40C0]  }
0x14a: {  	v36 =	vld [tilespmem:s16+$0xD0]  }
0x14b: {  	v37 =	vld [tilespmem:s16+$0x40D0]  }
0x14c: {  	v38 =	vld [tilespmem:s16+$0xE0]  }
0x14d: {  	v39 =	vld [tilespmem:s16+$0x40E0]  }
0x14e: {  	v40 =	vld [tilespmem:s16+$0xF0]  }
0x14f: {  	v41 =	vld [tilespmem:s16+$0x40F0]  }
0x150: {  	v42 =	vld [tilespmem:s16+$0x100]  }
0x151: {  	v43 =	vld [tilespmem:s16+$0x4100]  }
0x152: {  	v44 =	vld [tilespmem:s16+$0x110]  }
0x153: {  	v45 =	vld [tilespmem:s16+$0x4110]  }
0x154: {  	v46 =	vld [tilespmem:s16+$0x120]  }
0x155: {  	v47 =	vld [tilespmem:s16+$0x4120]  }
0x156: {  	v48 =	vld [tilespmem:s16+$0x130]  }
0x157: {  	v49 =	vld [tilespmem:s16+$0x4130]  }
0x158: {  	v50 =	vld [tilespmem:s16+$0x140]  }
0x159: {  	v51 =	vld [tilespmem:s16+$0x150]  }
0x15a: {  	v52 =	vld [tilespmem:s16+$0x160]  }
0x15b: {  	v53 =	vld [tilespmem:s16+$0x4160]  }
0x15c: {  	v54 =	vld [tilespmem:s16+$0x170]  }
0x15d: {  	v55 =	vld [tilespmem:s16+$0x180]  }
0x15e: {  	v56 =	vld [tilespmem:s16+$0x4180]  }
0x15f: {  	v57 =	vld [tilespmem:s16+$0x190]  }
0x160: {  	v58 =	vld [tilespmem:s16+$0x4190]  }
0x161: {  	v59 =	vld [tilespmem:s16+$0x1A0]  }
0x162: {  	v60 =	vld [tilespmem:s16+$0x41A0]  }
0x163: {  	v61 =	vld [tilespmem:s16+$0x0]  }
0x164: {  	v62 =	vld [tilespmem:s16+$0x8000];
	v8 =	vadd.f32 v9, v8  }
0x165: {  	v9 =	vld [tilespmem:s16+$0x4140];
	v13 =	vadd.f32 v13, v12;
	v14 =	vadd.f32 v15, v14  }
0x166: {  	v15 =	vld [tilespmem:s16+$0x1B0];
	v16 =	vadd.f32 v17, v16;
	v17 =	vadd.f32 v19, v18  }
0x167: {  	v18 =	vld [tilespmem:s16+$0x41B0];
	v19 =	vadd.f32 v21, v20;
	v20 =	vadd.f32 v23, v22  }
0x168: {  	v21 =	vld [tilespmem:s16+$0x1C0];
	v22 =	vadd.f32 v25, v24;
	v23 =	vadd.f32 v27, v26  }
0x169: {  	v24 =	vld [tilespmem:s16+$0x41C0];
	v25 =	vadd.f32 v29, v28;
	v26 =	vadd.f32 v31, v30  }
0x16a: {  	v27 =	vld [tilespmem:s16+$0x1D0];
	v28 =	vadd.f32 v33, v32;
	v29 =	vadd.f32 v35, v34  }
0x16b: {  	v30 =	vld [tilespmem:s16+$0x41D0];
	v31 =	vadd.f32 v37, v36;
	v32 =	vadd.f32 v39, v38  }
0x16c: {  	v33 =	vld [tilespmem:s16+$0x1E0];
	v34 =	vadd.f32 v41, v40;
	v35 =	vadd.f32 v43, v42  }
0x16d: {  	v37 =	vadd.f32 v45, v44;
	v8 =	vadd.f32 v10, v8;
	v10 =	vld [tilespmem:s16+$0x4150]  }
0x16e: {  	v36 =	vld [tilespmem:s16+$0x41E0];
	v38 =	vadd.f32 v47, v46;
	v40 =	vadd.f32 v49, v48  }
0x16f: {  	v52 =	vadd.f32 v53, v52;
	v53 =	vld [tilespmem:s16+$0x8010];
	v55 =	vadd.f32 v56, v55  }
0x170: {  	v56 =	vld [tilespmem:s16+$0x8020];
	v57 =	vadd.f32 v58, v57;
	v12 =	vadd.f32 v60, v59  }
0x171: {  	v58 =	vld [tilespmem:s16+$0x8030];
	v8 =	vadd.f32 v8, v7;
	v41 =	vadd.f32 v9, v50  }
0x172: {  	v59 =	vld [tilespmem:s16+$0x8060];
	v9 =	vadd.f32 v30, v27;
	v63 =	vadd.f32 v10, v51  }
0x173: {  	v10 =	vadd.f32 v18, v15;
	v15 =	vadd.f32 v11, v61;
	v18 =	vld [tilespmem:s16+$0x8040]  }
0x174: {  	v13 =	vadd.f32 v53, v13;
	v11 =	vadd.f32 v24, v21;
	v21 =	vld [tilespmem:s16+$0x8050]  }
0x175: {  	v14 =	vadd.f32 v56, v14;
	[tilespmem:s16+$0x1F0] =	vst v8;
	v8 =	vld [tilespmem:s16+$0x4170];
	v15 =	vadd.f32 v62, v15  }
0x176: {  	v60 =	vld [tilespmem:s16+$0x8070];
	v16 =	vadd.f32 v58, v16;
	v13 =	vadd.f32 v13, v1  }
0x177: {  	v61 =	vld [tilespmem:s16+$0x8080];
	v14 =	vadd.f32 v14, v2;
	v15 =	vadd.f32 v15, v0  }
0x178: {  	[tilespmem:s16+$0x10] =	vst v13;
	v13 =	vadd.f32 v16, v3;
	v17 =	vadd.f32 v18, v17;
	v18 =	vld [tilespmem:s16+$0x8090]  }
0x179: {  	v16 =	vadd.f32 v59, v20;
	[tilespmem:s16+$0x0] =	vst v15;
	v15 =	vadd.f32 v21, v19;
	v19 =	vld [tilespmem:s16+$0x80A0]  }
0x17a: {  	v20 =	vld [tilespmem:s16+$0x80B0];
	v54 =	vadd.f32 v8, v54;
	v8 =	vadd.f32 v36, v33  }
0x17b: {  	[tilespmem:s16+$0x20] =	vst v14;
	v21 =	vld [tilespmem:s16+$0x80C0];
	v14 =	vadd.f32 v17, v4;
	v17 =	vadd.f32 v60, v22  }
0x17c: {  	[tilespmem:s16+$0x30] =	vst v13;
	v22 =	vld [tilespmem:s16+$0x80D0];
	v13 =	vadd.f32 v15, v5;
	v15 =	vadd.f32 v61, v23  }
0x17d: {  	[tilespmem:s16+$0x40] =	vst v14;
	v14 =	vadd.f32 v16, v6;
	v16 =	vadd.f32 v18, v25;
	v18 =	vld [tilespmem:s16+$0x80E0]  }
0x17e: {  	[tilespmem:s16+$0x50] =	vst v13;
	v13 =	vadd.f32 v17, v7;
	v17 =	vadd.f32 v19, v26;
	v19 =	vld [tilespmem:s16+$0x80F0]  }
0x17f: {  	[tilespmem:s16+$0x60] =	vst v14;
	v14 =	vadd.f32 v15, v0;
	v15 =	vadd.f32 v20, v28;
	v20 =	vld [tilespmem:s16+$0x8100]  }
0x180: {  	[tilespmem:s16+$0x70] =	vst v13;
	v13 =	vadd.f32 v16, v1;
	v16 =	vadd.f32 v21, v29;
	v21 =	vld [tilespmem:s16+$0x8110]  }
0x181: {  	[tilespmem:s16+$0x80] =	vst v14;
	v14 =	vadd.f32 v17, v2;
	v17 =	vadd.f32 v22, v31;
	v22 =	vld [tilespmem:s16+$0x8120]  }
0x182: {  	[tilespmem:s16+$0x90] =	vst v13;
	v13 =	vadd.f32 v15, v3;
	v15 =	vadd.f32 v18, v32;
	v18 =	vld [tilespmem:s16+$0x8130]  }
0x183: {  	[tilespmem:s16+$0xA0] =	vst v14;
	v14 =	vadd.f32 v16, v4;
	v16 =	vadd.f32 v19, v34;
	v19 =	vld [tilespmem:s16+$0x8140]  }
0x184: {  	[tilespmem:s16+$0xB0] =	vst v13;
	v13 =	vadd.f32 v17, v5;
	v17 =	vadd.f32 v20, v35;
	v20 =	vld [tilespmem:s16+$0x8150]  }
0x185: {  	[tilespmem:s16+$0xC0] =	vst v14;
	v14 =	vadd.f32 v15, v6;
	v15 =	vadd.f32 v21, v37;
	v21 =	vld [tilespmem:s16+$0x8160]  }
0x186: {  	[tilespmem:s16+$0xD0] =	vst v13;
	v13 =	vadd.f32 v16, v7;
	v16 =	vadd.f32 v22, v38;
	v22 =	vld [tilespmem:s16+$0x8170]  }
0x187: {  	v23 =	vld [tilespmem:s16+$0x8180];
	[tilespmem:s16+$0xE0] =	vst v14;
	v14 =	vadd.f32 v17, v0;
	v15 =	vadd.f32 v15, v1  }
0x188: {  	v62 =	vld [tilespmem:s16+$0x8190];
	v17 =	vadd.f32 v18, v40;
	[tilespmem:s16+$0xF0] =	vst v13;
	v16 =	vadd.f32 v16, v2  }
0x189: {  	v13 =	vld [tilespmem:s16+$0x81A0];
	v18 =	vadd.f32 v19, v41;
	[tilespmem:s16+$0x100] =	vst v14;
	v19 =	vadd.f32 v20, v63  }
0x18a: {  	[tilespmem:s16+$0x110] =	vst v15;
	v14 =	vld [tilespmem:s16+$0x81B0];
	v17 =	vadd.f32 v17, v3;
	v20 =	vadd.f32 v21, v52  }
0x18b: {  	v15 =	vld [tilespmem:s16+$0x81C0];
	[tilespmem:s16+$0x120] =	vst v16;
	v63 =	vadd.f32 v18, v4;
	v18 =	vadd.f32 v22, v54  }
0x18c: {  	v16 =	vld [tilespmem:s16+$0x81D0];
	v21 =	vadd.f32 v19, v5;
	v19 =	vadd.f32 v23, v55;
	[tilespmem:s16+$0x130] =	vst v17  }
0x18d: {  	s23 =	simm.s32 $0x0;
	s18 =	simm.s32 $0xC600;
	v22 =	vadd.f32 v20, v6;
	v20 =	vadd.f32 v62, v57;
	v17 =	vld [tilespmem:s16+$0x81E0];
	[tilespmem:s16+$0x140] =	vst v63  }
.LBB2_5:
0x18e: {  	v23 =	vld [tilespmem:s18+$0x1F0];
	[tilespmem:s16+$0x150] =	vst v21;
	v18 =	vadd.f32 v18, v7;
	v12 =	vadd.f32 v13, v12  }
0x18f: {  	s23 =	sadd.s32 $0x4, s23;
	v19 =	vadd.f32 v19, v0;
	v21 =	vld [tilespmem:s18+$0x41F0];
	[tilespmem:s16+$0x160] =	vst v22;
	v10 =	vadd.f32 v14, v10  }
0x190: {  	p0 =	slt.u32 s23, $0x7C;
	v14 =	vadd.f32 v20, v1;
	v13 =	vld [tilespmem:s18+$0x4000];
	[tilespmem:s16+$0x170] =	vst v18;
	v11 =	vadd.f32 v15, v11  }
0x191: {  	v12 =	vadd.f32 v12, v2;
	v15 =	vld [tilespmem:s18+$0x81F0];
	[tilespmem:s16+$0x180] =	vst v19;
	v9 =	vadd.f32 v16, v9  }
0x192: {  	v10 =	vadd.f32 v10, v3;
	v16 =	vld [tilespmem:s18+$0x10];
	[tilespmem:s16+$0x190] =	vst v14;
	v8 =	vadd.f32 v17, v8  }
0x193: {  	v11 =	vadd.f32 v11, v4;
	v14 =	vld [tilespmem:s18+$0x4010];
	[tilespmem:s16+$0x1A0] =	vst v12;
	v9 =	vadd.f32 v9, v5  }
0x194: {  	v12 =	vld [tilespmem:s18+$0x20];
	v17 =	vadd.f32 v21, v23;
	[tilespmem:s16+$0x1B0] =	vst v10;
	v8 =	vadd.f32 v8, v6  }
0x195: {  	v10 =	vld [tilespmem:s18+$0x4020];
	[tilespmem:s16+$0x1C0] =	vst v11  }
0x196: {  	v11 =	vld [tilespmem:s18+$0x30];
	v15 =	vadd.f32 v15, v17;
	[tilespmem:s16+$0x1D0] =	vst v9  }
0x197: {  	v9 =	vld [tilespmem:s18+$0x4030];
	[tilespmem:s16+$0x1E0] =	vst v8;
	s16 =	smov.u32 s18  }
0x198: {  	v14 =	vadd.f32 v14, v16;
	v8 =	vld [tilespmem:s18+$0x40];
	v16 =	vadd.f32 v15, v7  }
0x199: {  	v17 =	vld [tilespmem:s18+$0x4040]  }
0x19a: {  	v15 =	vadd.f32 v10, v12;
	v10 =	vld [tilespmem:s18+$0x50];
	[tilespmem:s18+$0x1F0] =	vst v16  }
0x19b: {  	v12 =	vld [tilespmem:s18+$0x4050]  }
0x19c: {  	v16 =	vadd.f32 v9, v11;
	v9 =	vld [tilespmem:s18+$0x60]  }
0x19d: {  	v11 =	vld [tilespmem:s18+$0x4060]  }
0x19e: {  	v17 =	vadd.f32 v17, v8;
	v8 =	vld [tilespmem:s18+$0x70]  }
0x19f: {  	v20 =	vld [tilespmem:s18+$0x4070]  }
0x1a0: {  	v18 =	vadd.f32 v12, v10;
	v10 =	vld [tilespmem:s18+$0x80]  }
0x1a1: {  	v12 =	vld [tilespmem:s18+$0x4080]  }
0x1a2: {  	v19 =	vadd.f32 v11, v9;
	v9 =	vld [tilespmem:s18+$0x90]  }
0x1a3: {  	v11 =	vld [tilespmem:s18+$0x4090]  }
0x1a4: {  	v20 =	vadd.f32 v20, v8;
	v8 =	vld [tilespmem:s18+$0xA0]  }
0x1a5: {  	v23 =	vld [tilespmem:s18+$0x40A0]  }
0x1a6: {  	v21 =	vadd.f32 v12, v10;
	v10 =	vld [tilespmem:s18+$0xB0]  }
0x1a7: {  	v12 =	vld [tilespmem:s18+$0x40B0]  }
0x1a8: {  	v22 =	vadd.f32 v11, v9;
	v9 =	vld [tilespmem:s18+$0xC0]  }
0x1a9: {  	v11 =	vld [tilespmem:s18+$0x40C0]  }
0x1aa: {  	v23 =	vadd.f32 v23, v8;
	v8 =	vld [tilespmem:s18+$0xD0]  }
0x1ab: {  	v26 =	vld [tilespmem:s18+$0x40D0]  }
0x1ac: {  	v24 =	vadd.f32 v12, v10;
	v10 =	vld [tilespmem:s18+$0xE0]  }
0x1ad: {  	v12 =	vld [tilespmem:s18+$0x40E0]  }
0x1ae: {  	v25 =	vadd.f32 v11, v9;
	v9 =	vld [tilespmem:s18+$0xF0]  }
0x1af: {  	v11 =	vld [tilespmem:s18+$0x40F0]  }
0x1b0: {  	v26 =	vadd.f32 v26, v8;
	v8 =	vld [tilespmem:s18+$0x100]  }
0x1b1: {  	v29 =	vld [tilespmem:s18+$0x4100]  }
0x1b2: {  	v27 =	vadd.f32 v12, v10;
	v10 =	vld [tilespmem:s18+$0x110]  }
0x1b3: {  	v12 =	vld [tilespmem:s18+$0x4110]  }
0x1b4: {  	v28 =	vadd.f32 v11, v9;
	v9 =	vld [tilespmem:s18+$0x120]  }
0x1b5: {  	v11 =	vld [tilespmem:s18+$0x4120]  }
0x1b6: {  	v29 =	vadd.f32 v29, v8;
	v8 =	vld [tilespmem:s18+$0x130]  }
0x1b7: {  	v32 =	vld [tilespmem:s18+$0x4130]  }
0x1b8: {  	v30 =	vadd.f32 v12, v10;
	v10 =	vld [tilespmem:s18+$0x140]  }
0x1b9: {  	v12 =	vld [tilespmem:s18+$0x4140]  }
0x1ba: {  	v31 =	vadd.f32 v11, v9;
	v9 =	vld [tilespmem:s18+$0x150]  }
0x1bb: {  	v11 =	vld [tilespmem:s18+$0x4150]  }
0x1bc: {  	v32 =	vadd.f32 v32, v8;
	v8 =	vld [tilespmem:s18+$0x160]  }
0x1bd: {  	v35 =	vld [tilespmem:s18+$0x4160]  }
0x1be: {  	v33 =	vadd.f32 v12, v10;
	v10 =	vld [tilespmem:s18+$0x170]  }
0x1bf: {  	v12 =	vld [tilespmem:s18+$0x4170]  }
0x1c0: {  	v34 =	vadd.f32 v11, v9;
	v9 =	vld [tilespmem:s18+$0x180]  }
0x1c1: {  	v11 =	vld [tilespmem:s18+$0x4180]  }
0x1c2: {  	v35 =	vadd.f32 v35, v8;
	v8 =	vld [tilespmem:s18+$0x190]  }
0x1c3: {  	v38 =	vld [tilespmem:s18+$0x4190]  }
0x1c4: {  	v36 =	vadd.f32 v12, v10;
	v10 =	vld [tilespmem:s18+$0x1A0]  }
0x1c5: {  	v12 =	vld [tilespmem:s18+$0x41A0]  }
0x1c6: {  	v37 =	vadd.f32 v11, v9;
	v9 =	vld [tilespmem:s18+$0x1B0]  }
0x1c7: {  	v11 =	vld [tilespmem:s18+$0x41B0]  }
0x1c8: {  	v38 =	vadd.f32 v38, v8;
	v8 =	vld [tilespmem:s18+$0x1C0]  }
0x1c9: {  	v39 =	vld [tilespmem:s18+$0x41C0]  }
0x1ca: {  	v12 =	vadd.f32 v12, v10;
	v40 =	vld [tilespmem:s18+$0x1D0]  }
0x1cb: {  	v41 =	vld [tilespmem:s18+$0x41D0]  }
0x1cc: {  	v10 =	vadd.f32 v11, v9;
	v42 =	vld [tilespmem:s18+$0x1E0]  }
0x1cd: {  	v43 =	vld [tilespmem:s18+$0x41E0]  }
0x1ce: {  	v44 =	vld [tilespmem:s18+$0x0];
	v11 =	vadd.f32 v39, v8  }
0x1cf: {  	v39 =	vld [tilespmem:s18+$0x8000]  }
0x1d0: {  	v45 =	vld [tilespmem:s18+$0x8010];
	v9 =	vadd.f32 v41, v40  }
0x1d1: {  	v40 =	vld [tilespmem:s18+$0x8020]  }
0x1d2: {  	v41 =	vld [tilespmem:s18+$0x8030];
	v8 =	vadd.f32 v43, v42  }
0x1d3: {  	v13 =	vadd.f32 v13, v44;
	v42 =	vld [tilespmem:s18+$0x8040]  }
0x1d4: {  	v43 =	vld [tilespmem:s18+$0x8050]  }
0x1d5: {  	v13 =	vadd.f32 v39, v13;
	v14 =	vadd.f32 v45, v14;
	v39 =	vld [tilespmem:s18+$0x8060]  }
0x1d6: {  	v15 =	vadd.f32 v40, v15;
	v40 =	vld [tilespmem:s18+$0x8070]  }
0x1d7: {  	v13 =	vadd.f32 v13, v0;
	v16 =	vadd.f32 v41, v16;
	v41 =	vld [tilespmem:s18+$0x8080]  }
0x1d8: {  	v14 =	vadd.f32 v14, v1;
	v17 =	vadd.f32 v42, v17;
	v42 =	vld [tilespmem:s18+$0x8090]  }
0x1d9: {  	[tilespmem:s18+$0x0] =	vst v13;
	v13 =	vadd.f32 v15, v2;
	v15 =	vadd.f32 v43, v18;
	v18 =	vld [tilespmem:s18+$0x80A0]  }
0x1da: {  	[tilespmem:s18+$0x10] =	vst v14;
	v14 =	vadd.f32 v16, v3;
	v16 =	vadd.f32 v39, v19;
	v19 =	vld [tilespmem:s18+$0x80B0]  }
0x1db: {  	[tilespmem:s18+$0x20] =	vst v13;
	v13 =	vadd.f32 v17, v4;
	v17 =	vadd.f32 v40, v20;
	v20 =	vld [tilespmem:s18+$0x80C0]  }
0x1dc: {  	[tilespmem:s18+$0x30] =	vst v14;
	v14 =	vadd.f32 v15, v5;
	v15 =	vadd.f32 v41, v21;
	v21 =	vld [tilespmem:s18+$0x80D0]  }
0x1dd: {  	[tilespmem:s18+$0x40] =	vst v13;
	v13 =	vadd.f32 v16, v6;
	v16 =	vadd.f32 v42, v22;
	v22 =	vld [tilespmem:s18+$0x80E0]  }
0x1de: {  	[tilespmem:s18+$0x50] =	vst v14;
	v14 =	vadd.f32 v17, v7;
	v17 =	vadd.f32 v18, v23;
	v18 =	vld [tilespmem:s18+$0x80F0]  }
0x1df: {  	[tilespmem:s18+$0x60] =	vst v13;
	v13 =	vadd.f32 v15, v0;
	v15 =	vadd.f32 v19, v24;
	v19 =	vld [tilespmem:s18+$0x8100]  }
0x1e0: {  	[tilespmem:s18+$0x70] =	vst v14;
	v14 =	vadd.f32 v16, v1;
	v16 =	vadd.f32 v20, v25;
	v20 =	vld [tilespmem:s18+$0x8110]  }
0x1e1: {  	[tilespmem:s18+$0x80] =	vst v13;
	v13 =	vadd.f32 v17, v2;
	v17 =	vadd.f32 v21, v26;
	v21 =	vld [tilespmem:s18+$0x8120]  }
0x1e2: {  	[tilespmem:s18+$0x90] =	vst v14;
	v14 =	vadd.f32 v15, v3;
	v15 =	vadd.f32 v22, v27;
	v22 =	vld [tilespmem:s18+$0x8130]  }
0x1e3: {  	[tilespmem:s18+$0xA0] =	vst v13;
	v13 =	vadd.f32 v16, v4;
	v16 =	vadd.f32 v18, v28;
	v18 =	vld [tilespmem:s18+$0x8140]  }
0x1e4: {  	[tilespmem:s18+$0xB0] =	vst v14;
	v14 =	vadd.f32 v17, v5;
	v17 =	vadd.f32 v19, v29;
	v19 =	vld [tilespmem:s18+$0x8150]  }
0x1e5: {  	[tilespmem:s18+$0xC0] =	vst v13;
	v13 =	vadd.f32 v15, v6;
	v15 =	vadd.f32 v20, v30;
	v20 =	vld [tilespmem:s18+$0x8160]  }
0x1e6: {  	[tilespmem:s18+$0xD0] =	vst v14;
	v14 =	vadd.f32 v16, v7;
	v16 =	vadd.f32 v21, v31;
	v21 =	vld [tilespmem:s18+$0x8170]  }
0x1e7: {  	[tilespmem:s18+$0xE0] =	vst v13;
	v13 =	vadd.f32 v17, v0;
	v17 =	vadd.f32 v22, v32;
	v22 =	vld [tilespmem:s18+$0x8180]  }
0x1e8: {  	[tilespmem:s18+$0xF0] =	vst v14;
	v14 =	vadd.f32 v15, v1;
	v15 =	vadd.f32 v18, v33;
	v23 =	vld [tilespmem:s18+$0x8190]  }
.Ltmp1:
0x1e9: {  	v16 =	vadd.f32 v16, v2;
	[tilespmem:s18+$0x100] =	vst v13;
	v19 =	vadd.f32 v19, v34;
	v13 =	vld [tilespmem:s18+$0x81A0];
	(pc) =	sbr.rel @p0 .LBB2_5-.Ltmp1, $4  }
0x1ea: {  	v17 =	vadd.f32 v17, v3;
	[tilespmem:s18+$0x110] =	vst v14;
	v20 =	vadd.f32 v20, v35;
	v14 =	vld [tilespmem:s18+$0x81B0]  }
0x1eb: {  	v24 =	vadd.f32 v15, v4;
	[tilespmem:s18+$0x120] =	vst v16;
	v18 =	vadd.f32 v21, v36;
	v15 =	vld [tilespmem:s18+$0x81C0]  }
0x1ec: {  	v21 =	vadd.f32 v19, v5;
	[tilespmem:s18+$0x130] =	vst v17;
	v19 =	vadd.f32 v22, v37;
	v16 =	vld [tilespmem:s18+$0x81D0]  }
0x1ed: {  	v22 =	vadd.f32 v20, v6;
	s18 =	sadd.s32 $0x200, s18;
	[tilespmem:s16+$0x140] =	vst v24;
	v20 =	vadd.f32 v23, v38;
	v17 =	vld [tilespmem:s16+$0x81E0]  }
0x1ee: {  	[tilespmem:s16+$0x150] =	vst v21;
	v18 =	vadd.f32 v18, v7  }
0x1ef: {  	v12 =	vadd.f32 v13, v12;
	v62 =	vadd.f32 v19, v0;
	[tilespmem:s16+$0x160] =	vst v22  }
0x1f0: {  	v10 =	vadd.f32 v14, v10;
	v63 =	vadd.f32 v20, v1;
	[tilespmem:s16+$0x170] =	vst v18  }
0x1f1: {  	v11 =	vadd.f32 v15, v11;
	[tilespmem:s16+$0x180] =	vst v62;
	v12 =	vadd.f32 v12, v2  }
0x1f2: {  	s17 =	sadd.s32 $0x1, s17;
	v9 =	vadd.f32 v16, v9;
	[tilespmem:s16+$0x190] =	vst v63;
	v10 =	vadd.f32 v10, v3  }
0x1f3: {  	p0 =	sne.s32 s17, $0x64;
	v8 =	vadd.f32 v17, v8;
	[tilespmem:s16+$0x1A0] =	vst v12;
	v11 =	vadd.f32 v11, v4  }
.Ltmp2:
0x1f4: {  	v9 =	vadd.f32 v9, v5;
	[tilespmem:s16+$0x1B0] =	vst v10;
	(pc) =	sbr.rel @p0 .LBB2_2-.Ltmp2, $4  }
0x1f5: {  	s9 =	sadd.s32 s9, s15;
	v8 =	vadd.f32 v8, v6;
	[tilespmem:s16+$0x1C0] =	vst v11  }
0x1f6: {  	s9 =	sshrl.u32 s9, $0x3;
	[tilespmem:s16+$0x1D0] =	vst v9  }
0x1f7: {  	s9 =	sadd.s32 s6, s9;
	[tilespmem:s16+$0x1E0] =	vst v8  }
0x1f8: {  	[hbm4b:s9+s7] =	stream.linear.scatter [tilespmem:s20], [sflag:$0x6], $0x4000, $0x38;
	[tilespmem:$0x18880] =	vst v63  }
0x1f9: {  	_ =	swait.ge [sflag:s29], $0x4000  }
0x1fa: {  	s30 =	sadd.s32 $0x1, s30;
	s9 =	rddreg [dreg:$0x8]  }
0x1fb: {  	p0 =	sne.s32 s30, s9  }
.Ltmp3:
0x1fc: {  	_ = 	snop;
	(pc) =	sbr.rel @p0 .LBB2_1-.Ltmp3, $3  }
0x1fd: {  	_ =	sdelay $0x1  }
0x1fe: {  	[sflag:s29] =	ssyncset.done $0x0  }
0x1ff: {  	[sflag:s29] =	ssyncadd.s32 $0xFFFFC000  }
0x200: {  	_ =	sfence.sel $0x180000  }
0x201: {  	[bflag:$0x0] =	sbarrier.arrive $0xFFFF  }
0x202: {  	_ =	strace $0x90000047  }
0x203: {  	s0 =	stileid.u32;
	[bflag:$0x2] =	sbarrier.arrive $0xFFFF  }
0x204: {  	p0 =	sne.s32 s0, $0x0;
	s0 =	rddreg [dreg:$0x6]  }
0x205: {  	s0 =	sadd.s32 @!p0 $0x100000, s0  }
0x206: {  	[sflag:s0] =	ssyncadd.tile.s32 @!p0 $0x1;
	_ =	shalt  }
.Lfunc_end2:
_tile_overlayer_lowered:
.L_overlay_start_2:
0x207: {  	(tag) =	ssettag $0x2  }
0x208: {  	s0 =	rddreg [dreg:$0x0];
	s2 =	stileid.u32  }
0x209: {  	s1 =	rddreg [dreg:$0x1];
	p0 =	sne.s32 s2, $0x0  }
0x20a: {  	s3 =	rddreg [dreg:$0x2];
	[bflag:$0x3] =	sbarrier.arrive $0xFFFF;
	s2 =	simm.s32 @!p0 $0x1C07  }
0x20b: {  	[timem:s3], [sflag:s2] =	dma.local @!p0 [hbm:s0], s1  }
0x20c: {  	s0 =	simm.s32 @!p0 $0x7  }
0x20d: {  	_ =	swait.ge @!p0 [sflag:s0], s1  }
0x20e: {  	s1 =	ssub.s32 @!p0 $0x0, s1;
	[sflag:s0] =	ssyncset.done @!p0 $0x0  }
0x20f: {  	[sflag:s0] =	ssyncadd.s32 @!p0 s1  }
0x210: {  	[bflag:$0x3] =	sbarrier.arrive $0xFFFF  }
0x211: {  	_ =	shalt  }

</sc_bundles>
